<compile_context>
chip_gen: v7x
topology: tpu7x:2x2x1
jax: 0.10.2.dev20260603
libtpu: 0.0.44.dev20260713+nightly
codegen_flags: <defaults>
</compile_context>

<pallas_src>
import functools

import jax
import jax.numpy as jnp
from jax import lax
from jax.experimental import pallas as pl
from jax.experimental.pallas import tpu as pltpu
from jax.experimental.pallas import tpu_sc as plsc

NC = 2
NS = 16
NW = NC * NS
LANES = 8
UR = 1


_GATHER_DNUMS = lax.GatherDimensionNumbers(
    offset_dims=(), collapsed_slice_dims=(0,), start_index_map=(0,))


def _lane_broadcast(v, lane_idx):
    return lax.gather(
        v, lane_idx, dimension_numbers=_GATHER_DNUMS, slice_sizes=(1,),
        mode=lax.GatherScatterMode.PROMISE_IN_BOUNDS)


def _row_layernorm(e, gk, bk, magic, lane15, sacc_row):
    sq = [v * v for v in e]
    sacc_row[...] = sq[0]
    for k in range(1, LANES):
        plsc.addupdate(sacc_row, sq[k])
    s1 = list(e)
    while len(s1) > 1:
        s1 = [s1[i] + s1[i + 1] for i in range(0, len(s1), 2)]
    c1 = plsc.cumsum(s1[0])
    c2 = plsc.cumsum(sacc_row[...])
    tot1 = _lane_broadcast(c1, lane15)
    tot2 = _lane_broadcast(c2, lane15)
    mean = tot1 * (1.0 / 128.0)
    varv = tot2 * (1.0 / 128.0) - mean * mean + 1e-5
    yi = magic - lax.shift_right_logical(plsc.bitcast(varv, jnp.int32), 1)
    y = plsc.bitcast(yi, jnp.float32)
    xh = varv * 0.5
    y = y * (1.5 - xh * y * y)
    y = y * (1.5 - xh * y * y)
    return [(e[k] - mean) * y * gk[k] + bk[k] for k in range(LANES)]


def _make_sc_kernel(N, L, D, n_chunks_w, chunk):
    per_w = N // NW
    mesh = plsc.VectorSubcoreMesh(core_axis_name="c", subcore_axis_name="s")

    @functools.partial(
        pl.kernel,
        mesh=mesh,
        out_type=jax.ShapeDtypeStruct((N, D), jnp.float32),
        compiler_params=pltpu.CompilerParams(needs_layout_passes=False),
        scratch_types=[
            pltpu.VMEM((n_chunks_w, chunk), jnp.int32),
            pltpu.VMEM((L, D), jnp.float32),
            pltpu.VMEM((D,), jnp.float32),
            pltpu.VMEM((D,), jnp.float32),
            pltpu.VMEM((chunk, D), jnp.float32),
            pltpu.VMEM((chunk, D), jnp.float32),
            pltpu.VMEM((chunk, D), jnp.float32),
            pltpu.VMEM((chunk, D), jnp.float32),
            pltpu.VMEM((chunk, 16), jnp.float32),
            pltpu.SemaphoreType.DMA,
            pltpu.SemaphoreType.DMA,
            pltpu.SemaphoreType.DMA,
            pltpu.SemaphoreType.DMA,
        ],
    )
    def sc_kernel(tok_hbm, idx_hbm, pos_hbm, gam_hbm, bet_hbm, out_hbm,
                  idx_v, pos_v, gam_v, bet_v,
                  gbuf0, gbuf1, obuf0, obuf1, sacc,
                  sg0, sg1, ss0, ss1):
        wid = lax.axis_index("s") * NC + lax.axis_index("c")
        base = wid * per_w

        pltpu.sync_copy(idx_hbm.at[wid], idx_v)
        pltpu.sync_copy(pos_hbm.at[pl.ds(0, L)], pos_v)
        pltpu.sync_copy(gam_hbm, gam_v)
        pltpu.sync_copy(bet_hbm, bet_v)

        gk = [gam_v[pl.ds(k * 16, 16)] for k in range(LANES)]
        bk = [bet_v[pl.ds(k * 16, 16)] for k in range(LANES)]
        magic = jnp.full((16,), 0x5F3759DF, jnp.int32)
        lane15 = jnp.full((16, 1), 15, jnp.int32)

        gbufs = (gbuf0, gbuf1)
        obufs = (obuf0, obuf1)
        sgs = (sg0, sg1)
        sss = (ss0, ss1)

        pltpu.async_copy(tok_hbm.at[idx_v.at[0]], gbuf0, sg0)
        pltpu.async_copy(tok_hbm.at[idx_v.at[1]], gbuf1, sg1)

        def do_chunk(g, j):
            gbuf, obuf, sg, ss = gbufs[j], obufs[j], sgs[j], sss[j]
            pltpu.make_async_copy(tok_hbm.at[idx_v.at[g]], gbuf, sg).wait()
            @pl.when(g >= 2)
            def _():
                pltpu.make_async_copy(
                    obuf, out_hbm.at[pl.ds(base, chunk)], ss).wait()

            @plsc.parallel_loop(0, chunk, 1, unroll=UR)
            def _(r):
                p = lax.rem(g * chunk + r, L)
                e = [gbuf[r, pl.ds(k * 16, 16)]
                     + pos_v[p, pl.ds(k * 16, 16)]
                     for k in range(LANES)]
                o = _row_layernorm(e, gk, bk, magic, lane15, sacc.at[r])
                for k in range(LANES):
                    obuf[r, pl.ds(k * 16, 16)] = o[k]
            pltpu.async_copy(
                obuf, out_hbm.at[pl.ds(base + g * chunk, chunk)], ss)
            @pl.when(g + 2 < n_chunks_w)
            def _():
                pltpu.async_copy(tok_hbm.at[idx_v.at[g + 2]], gbuf, sg)

        def outer(i, carry):
            for j in range(2):
                do_chunk(i * 2 + j, j)
            return carry

        lax.fori_loop(0, n_chunks_w // 2, outer, 0)

        for j in range(2):
            pltpu.make_async_copy(
                obufs[j], out_hbm.at[pl.ds(base, chunk)], sss[j]).wait()

    return sc_kernel


def kernel(input_ids, token_table, pos_table, ln_gamma, ln_beta):
    B, L = input_ids.shape
    V, D = token_table.shape
    N = B * L
    chunk = 128
    per_w = N // NW
    n_chunks_w = per_w // chunk
    idx = input_ids.reshape(NW, n_chunks_w, chunk).astype(jnp.int32)
    sc = _make_sc_kernel(N, L, D, n_chunks_w, chunk)
    out = sc(token_table, idx, pos_table, ln_gamma, ln_beta)
    return out.reshape(B, L, D)

# --- scband reference (transcript-rebuilt; emitter-appended) ---
"""Pipeline reference for scband-input-embedding-16647293239550 (READ-ONLY COPY).

The authoritative reference and input builder live on the scoring server;
editing this copy changes nothing except your own understanding.
"""

import jax, jax.numpy as jnp
import numpy as np

VOCAB = 1000000
HIDDEN = 128
MAX_SEQ = 2048
B, L = 1024, 200


def setup_inputs(seed: int = 0) -> dict:
    key = jax.random.key(seed)
    k1, k2, k3 = jax.random.split(key, 3)
    input_ids = jax.random.randint(k1, (B, L), 0, VOCAB, dtype=jnp.int64 if jax.config.jax_enable_x64 else jnp.int32)
    token_table = jax.random.normal(k2, (VOCAB, HIDDEN), dtype=jnp.float32) * 0.02
    pos_table = jax.random.normal(k3, (MAX_SEQ, HIDDEN), dtype=jnp.float32) * 0.02
    ln_gamma = jnp.ones((HIDDEN,), dtype=jnp.float32)
    ln_beta = jnp.zeros((HIDDEN,), dtype=jnp.float32)
    return {
        "input_ids": input_ids,
        "token_table": token_table,
        "pos_table": pos_table,
        "ln_gamma": ln_gamma,
        "ln_beta": ln_beta,
    }


def reference(input_ids, token_table, pos_table, ln_gamma, ln_beta):
    # token embedding gather: [B, L] -> [B, L, D]
    token_embeds = jnp.take(token_table, input_ids, axis=0)
    # position embedding gather: [L] -> [L, D], broadcast over batch
    Lcur = input_ids.shape[1]
    position_ids = jnp.arange(Lcur)
    position_embeds = jnp.take(pos_table, position_ids, axis=0)[None, :, :]
    embeddings = token_embeds + position_embeds
    # LayerNorm over last dim (eps=1e-5, torch default)
    mean = jnp.mean(embeddings, axis=-1, keepdims=True)
    var = jnp.mean(jnp.square(embeddings - mean), axis=-1, keepdims=True)
    normed = (embeddings - mean) / jnp.sqrt(var + 1e-5)
    out = normed * ln_gamma + ln_beta
    # dropout is identity in eval / deterministic reference
    return out

if __name__ == "__main__":
    import jax
    _d = setup_inputs()
    print(jax.jit(kernel)(*tuple(_d.values())))

</pallas_src>

<mosaic_0001>
#map = affine_map<(d0, d1) -> (0, 0)>
#map1 = affine_map<(d0, d1) -> (0, 0, 0)>
#map2 = affine_map<(d0, d1) -> (0)>
module attributes {stable_mosaic.version = 14 : i64} {
  func.func @sc_kernel(%arg0: i32, %arg1: i32, %arg2: memref<1000000x128xf32, #tpu.memory_space<hbm>>, %arg3: memref<32x50x128xi32, #tpu.memory_space<hbm>>, %arg4: memref<2048x128xf32, #tpu.memory_space<hbm>>, %arg5: memref<128xf32, #tpu.memory_space<hbm>>, %arg6: memref<128xf32, #tpu.memory_space<hbm>>, %arg7: memref<204800x128xf32, #tpu.memory_space<hbm>>, %arg8: memref<50x128xi32, #tpu.memory_space<vmem>>, %arg9: memref<200x128xf32, #tpu.memory_space<vmem>>, %arg10: memref<128xf32, #tpu.memory_space<vmem>>, %arg11: memref<128xf32, #tpu.memory_space<vmem>>, %arg12: memref<128x128xf32, #tpu.memory_space<vmem>>, %arg13: memref<128x128xf32, #tpu.memory_space<vmem>>, %arg14: memref<128x128xf32, #tpu.memory_space<vmem>>, %arg15: memref<128x128xf32, #tpu.memory_space<vmem>>, %arg16: memref<128x16xf32, #tpu.memory_space<vmem>>, %arg17: memref<!tpu.dma_semaphore, #tpu.memory_space<semaphore_mem>>, %arg18: memref<!tpu.dma_semaphore, #tpu.memory_space<semaphore_mem>>, %arg19: memref<!tpu.dma_semaphore, #tpu.memory_space<semaphore_mem>>, %arg20: memref<!tpu.dma_semaphore, #tpu.memory_space<semaphore_mem>>) attributes {dimension_semantics = [#tpu.dimension_semantics<core_parallel>, #tpu.dimension_semantics<subcore_parallel>], iteration_bounds = array<i64: 2, 16>, scalar_prefetch = 0 : i64, scratch_operands = 13 : i64, tpu.core_type = #tpu.core_type<sc_vector_subcore>, window_params = [{transform_indices = #map}, {transform_indices = #map1}, {transform_indices = #map}, {transform_indices = #map2}, {transform_indices = #map2}, {transform_indices = #map}]} {
    %mul3A = arith.constant 2 : i32
    %mul3A_0 = arith.muli %arg1, %mul3A : i32
    %add3A = arith.addi %mul3A_0, %arg0 : i32
    %mul3A_1 = arith.constant 6400 : i32
    %mul3A_2 = arith.muli %add3A, %mul3A_1 : i32
    "tpu.region"() ({
      %run_scoped3A = tpu.sem_alloc : memref<!tpu.dma_semaphore, #tpu.memory_space<semaphore_mem>>
      %dma_start3A_62 = arith.constant 0 : i32
      %dma_start3A_63 = arith.constant 0 : i32
      %dma_start3A_64 = tpu.memref_slice %arg3[%add3A, %dma_start3A_62, %dma_start3A_63] : memref<32x50x128xi32, #tpu.memory_space<hbm>> -> memref<1x50x128xi32, #tpu.memory_space<hbm>>
      %dma_start3A_65 = tpu.memref_squeeze %dma_start3A_64 : memref<1x50x128xi32, #tpu.memory_space<hbm>> -> memref<50x128xi32, #tpu.memory_space<hbm>>
      %dma_start3A_66 = arith.constant 0 : i32
      %dma_start3A_67 = arith.constant 0 : i32
      %dma_start3A_68 = tpu.memref_slice %arg3[%add3A, %dma_start3A_66, %dma_start3A_67] : memref<32x50x128xi32, #tpu.memory_space<hbm>> -> memref<1x50x128xi32, #tpu.memory_space<hbm>>
      %dma_start3A_69 = tpu.memref_squeeze %dma_start3A_68 : memref<1x50x128xi32, #tpu.memory_space<hbm>> -> memref<50x128xi32, #tpu.memory_space<hbm>>
      tpu.enqueue_dma source(%dma_start3A_69 : memref<50x128xi32, #tpu.memory_space<hbm>>) target(%arg8 : memref<50x128xi32, #tpu.memory_space<vmem>>) target_semaphore(%run_scoped3A : memref<!tpu.dma_semaphore, #tpu.memory_space<semaphore_mem>>)
      %dma_wait3A_70 = arith.constant 0 : i32
      %dma_wait3A_71 = arith.constant 0 : i32
      %dma_wait3A_72 = tpu.memref_slice %arg3[%add3A, %dma_wait3A_70, %dma_wait3A_71] : memref<32x50x128xi32, #tpu.memory_space<hbm>> -> memref<1x50x128xi32, #tpu.memory_space<hbm>>
      %dma_wait3A_73 = tpu.memref_squeeze %dma_wait3A_72 : memref<1x50x128xi32, #tpu.memory_space<hbm>> -> memref<50x128xi32, #tpu.memory_space<hbm>>
      %dma_wait3A_74 = arith.constant 0 : i32
      %dma_wait3A_75 = arith.constant 0 : i32
      %dma_wait3A_76 = tpu.memref_slice %arg3[%add3A, %dma_wait3A_74, %dma_wait3A_75] : memref<32x50x128xi32, #tpu.memory_space<hbm>> -> memref<1x50x128xi32, #tpu.memory_space<hbm>>
      %dma_wait3A_77 = tpu.memref_squeeze %dma_wait3A_76 : memref<1x50x128xi32, #tpu.memory_space<hbm>> -> memref<50x128xi32, #tpu.memory_space<hbm>>
      tpu.wait_dma2 semaphore(%run_scoped3A : memref<!tpu.dma_semaphore, #tpu.memory_space<semaphore_mem>>) src(%dma_wait3A_77 : memref<50x128xi32, #tpu.memory_space<hbm>>) dst(%arg8 : memref<50x128xi32, #tpu.memory_space<vmem>>)
      tpu.yield
    }) : () -> ()
    "tpu.region"() ({
      %run_scoped3A = tpu.sem_alloc : memref<!tpu.dma_semaphore, #tpu.memory_space<semaphore_mem>>
      %dma_start3A_62 = arith.constant 0 : i32
      %dma_start3A_63 = arith.constant 0 : i32
      %dma_start3A_64 = tpu.memref_slice %arg4[%dma_start3A_62, %dma_start3A_63] : memref<2048x128xf32, #tpu.memory_space<hbm>> -> memref<200x128xf32, #tpu.memory_space<hbm>>
      %dma_start3A_65 = arith.constant 0 : i32
      %dma_start3A_66 = arith.constant 0 : i32
      %dma_start3A_67 = tpu.memref_slice %arg4[%dma_start3A_65, %dma_start3A_66] : memref<2048x128xf32, #tpu.memory_space<hbm>> -> memref<200x128xf32, #tpu.memory_space<hbm>>
      tpu.enqueue_dma source(%dma_start3A_67 : memref<200x128xf32, #tpu.memory_space<hbm>>) target(%arg9 : memref<200x128xf32, #tpu.memory_space<vmem>>) target_semaphore(%run_scoped3A : memref<!tpu.dma_semaphore, #tpu.memory_space<semaphore_mem>>)
      %dma_wait3A_68 = arith.constant 0 : i32
      %dma_wait3A_69 = arith.constant 0 : i32
      %dma_wait3A_70 = tpu.memref_slice %arg4[%dma_wait3A_68, %dma_wait3A_69] : memref<2048x128xf32, #tpu.memory_space<hbm>> -> memref<200x128xf32, #tpu.memory_space<hbm>>
      %dma_wait3A_71 = arith.constant 0 : i32
      %dma_wait3A_72 = arith.constant 0 : i32
      %dma_wait3A_73 = tpu.memref_slice %arg4[%dma_wait3A_71, %dma_wait3A_72] : memref<2048x128xf32, #tpu.memory_space<hbm>> -> memref<200x128xf32, #tpu.memory_space<hbm>>
      tpu.wait_dma2 semaphore(%run_scoped3A : memref<!tpu.dma_semaphore, #tpu.memory_space<semaphore_mem>>) src(%dma_wait3A_73 : memref<200x128xf32, #tpu.memory_space<hbm>>) dst(%arg9 : memref<200x128xf32, #tpu.memory_space<vmem>>)
      tpu.yield
    }) : () -> ()
    "tpu.region"() ({
      %run_scoped3A = tpu.sem_alloc : memref<!tpu.dma_semaphore, #tpu.memory_space<semaphore_mem>>
      tpu.enqueue_dma source(%arg5 : memref<128xf32, #tpu.memory_space<hbm>>) target(%arg10 : memref<128xf32, #tpu.memory_space<vmem>>) target_semaphore(%run_scoped3A : memref<!tpu.dma_semaphore, #tpu.memory_space<semaphore_mem>>)
      tpu.wait_dma2 semaphore(%run_scoped3A : memref<!tpu.dma_semaphore, #tpu.memory_space<semaphore_mem>>) src(%arg5 : memref<128xf32, #tpu.memory_space<hbm>>) dst(%arg10 : memref<128xf32, #tpu.memory_space<vmem>>)
      tpu.yield
    }) : () -> ()
    "tpu.region"() ({
      %run_scoped3A = tpu.sem_alloc : memref<!tpu.dma_semaphore, #tpu.memory_space<semaphore_mem>>
      tpu.enqueue_dma source(%arg6 : memref<128xf32, #tpu.memory_space<hbm>>) target(%arg11 : memref<128xf32, #tpu.memory_space<vmem>>) target_semaphore(%run_scoped3A : memref<!tpu.dma_semaphore, #tpu.memory_space<semaphore_mem>>)
      tpu.wait_dma2 semaphore(%run_scoped3A : memref<!tpu.dma_semaphore, #tpu.memory_space<semaphore_mem>>) src(%arg6 : memref<128xf32, #tpu.memory_space<hbm>>) dst(%arg11 : memref<128xf32, #tpu.memory_space<vmem>>)
      tpu.yield
    }) : () -> ()
    %get3A = arith.constant 0 : index
    %get3A_3 = tpu.vector_load %arg10[%get3A] {strides = array<i32>} : memref<128xf32, #tpu.memory_space<vmem>>, vector<16xf32>,
    %get3A_4 = arith.constant 16 : index
    %get3A_5 = tpu.vector_load %arg10[%get3A_4] {strides = array<i32>} : memref<128xf32, #tpu.memory_space<vmem>>, vector<16xf32>,
    %get3A_6 = arith.constant 32 : index
    %get3A_7 = tpu.vector_load %arg10[%get3A_6] {strides = array<i32>} : memref<128xf32, #tpu.memory_space<vmem>>, vector<16xf32>,
    %get3A_8 = arith.constant 48 : index
    %get3A_9 = tpu.vector_load %arg10[%get3A_8] {strides = array<i32>} : memref<128xf32, #tpu.memory_space<vmem>>, vector<16xf32>,
    %get3A_10 = arith.constant 64 : index
    %get3A_11 = tpu.vector_load %arg10[%get3A_10] {strides = array<i32>} : memref<128xf32, #tpu.memory_space<vmem>>, vector<16xf32>,
    %get3A_12 = arith.constant 80 : index
    %get3A_13 = tpu.vector_load %arg10[%get3A_12] {strides = array<i32>} : memref<128xf32, #tpu.memory_space<vmem>>, vector<16xf32>,
    %get3A_14 = arith.constant 96 : index
    %get3A_15 = tpu.vector_load %arg10[%get3A_14] {strides = array<i32>} : memref<128xf32, #tpu.memory_space<vmem>>, vector<16xf32>,
    %get3A_16 = arith.constant 112 : index
    %get3A_17 = tpu.vector_load %arg10[%get3A_16] {strides = array<i32>} : memref<128xf32, #tpu.memory_space<vmem>>, vector<16xf32>,
    %get3A_18 = arith.constant 0 : index
    %get3A_19 = tpu.vector_load %arg11[%get3A_18] {strides = array<i32>} : memref<128xf32, #tpu.memory_space<vmem>>, vector<16xf32>,
    %get3A_20 = arith.constant 16 : index
    %get3A_21 = tpu.vector_load %arg11[%get3A_20] {strides = array<i32>} : memref<128xf32, #tpu.memory_space<vmem>>, vector<16xf32>,
    %get3A_22 = arith.constant 32 : index
    %get3A_23 = tpu.vector_load %arg11[%get3A_22] {strides = array<i32>} : memref<128xf32, #tpu.memory_space<vmem>>, vector<16xf32>,
    %get3A_24 = arith.constant 48 : index
    %get3A_25 = tpu.vector_load %arg11[%get3A_24] {strides = array<i32>} : memref<128xf32, #tpu.memory_space<vmem>>, vector<16xf32>,
    %get3A_26 = arith.constant 64 : index
    %get3A_27 = tpu.vector_load %arg11[%get3A_26] {strides = array<i32>} : memref<128xf32, #tpu.memory_space<vmem>>, vector<16xf32>,
    %get3A_28 = arith.constant 80 : index
    %get3A_29 = tpu.vector_load %arg11[%get3A_28] {strides = array<i32>} : memref<128xf32, #tpu.memory_space<vmem>>, vector<16xf32>,
    %get3A_30 = arith.constant 96 : index
    %get3A_31 = tpu.vector_load %arg11[%get3A_30] {strides = array<i32>} : memref<128xf32, #tpu.memory_space<vmem>>, vector<16xf32>,
    %get3A_32 = arith.constant 112 : index
    %get3A_33 = tpu.vector_load %arg11[%get3A_32] {strides = array<i32>} : memref<128xf32, #tpu.memory_space<vmem>>, vector<16xf32>,
    %broadcast_in_dim3A = arith.constant 1597463007 : i32
    %broadcast_in_dim3A_34 = vector.broadcast %broadcast_in_dim3A : i32 to vector<16xi32>
    %broadcast_in_dim3A_35 = arith.constant 15 : i32
    %broadcast_in_dim3A_36 = vector.broadcast %broadcast_in_dim3A_35 : i32 to vector<16x1xi32>
    %dma_start3A = arith.constant 0 : i32
    %dma_start3A_37 = arith.constant 0 : i32
    %dma_start3A_38 = tpu.memref_slice %arg8[%dma_start3A, %dma_start3A_37] : memref<50x128xi32, #tpu.memory_space<vmem>> -> memref<1x128xi32, #tpu.memory_space<vmem>>
    %dma_start3A_39 = tpu.memref_squeeze %dma_start3A_38 : memref<1x128xi32, #tpu.memory_space<vmem>> -> memref<128xi32, #tpu.memory_space<vmem>>
    %dma_start3A_40 = arith.constant 0 : i32
    %dma_start3A_41 = arith.constant 0 : i32
    %dma_start3A_42 = tpu.memref_slice %arg2[%dma_start3A_40, %dma_start3A_41] : memref<1000000x128xf32, #tpu.memory_space<hbm>> -> memref<1000000x128xf32, #tpu.memory_space<hbm>>
    tpu.enqueue_indirect_dma source(%dma_start3A_42 : memref<1000000x128xf32, #tpu.memory_space<hbm>>) target(%arg12 : memref<128x128xf32, #tpu.memory_space<vmem>>) offsets(%dma_start3A_39 : memref<128xi32, #tpu.memory_space<vmem>>) semaphore(%arg17 : memref<!tpu.dma_semaphore, #tpu.memory_space<semaphore_mem>>)
    %dma_start3A_43 = arith.constant 1 : i32
    %dma_start3A_44 = arith.constant 0 : i32
    %dma_start3A_45 = tpu.memref_slice %arg8[%dma_start3A_43, %dma_start3A_44] : memref<50x128xi32, #tpu.memory_space<vmem>> -> memref<1x128xi32, #tpu.memory_space<vmem>>
    %dma_start3A_46 = tpu.memref_squeeze %dma_start3A_45 : memref<1x128xi32, #tpu.memory_space<vmem>> -> memref<128xi32, #tpu.memory_space<vmem>>
    %dma_start3A_47 = arith.constant 0 : i32
    %dma_start3A_48 = arith.constant 0 : i32
    %dma_start3A_49 = tpu.memref_slice %arg2[%dma_start3A_47, %dma_start3A_48] : memref<1000000x128xf32, #tpu.memory_space<hbm>> -> memref<1000000x128xf32, #tpu.memory_space<hbm>>
    tpu.enqueue_indirect_dma source(%dma_start3A_49 : memref<1000000x128xf32, #tpu.memory_space<hbm>>) target(%arg13 : memref<128x128xf32, #tpu.memory_space<vmem>>) offsets(%dma_start3A_46 : memref<128xi32, #tpu.memory_space<vmem>>) semaphore(%arg18 : memref<!tpu.dma_semaphore, #tpu.memory_space<semaphore_mem>>)
    %scan3A = arith.constant 0 : i32
    %scan3A_50 = arith.constant 0 : i32
    %scan3A_51 = arith.constant 25 : i32
    %scan3A_52 = arith.addi %scan3A_50, %scan3A_51 : i32
    %scan3A_53 = arith.constant 1 : i32
    scf.for %scan3A_62 = %scan3A_50 to %scan3A_52 step %scan3A_53  : i32 {
      %mul3A_63 = arith.constant 2 : i32
      %mul3A_64 = arith.muli %scan3A_62, %mul3A_63 : i32
      %add3A_65 = arith.constant 0 : i32
      %add3A_66 = arith.addi %mul3A_64, %add3A_65 : i32
      %dma_wait3A_67 = arith.constant 0 : i32
      %dma_wait3A_68 = tpu.memref_slice %arg8[%add3A_66, %dma_wait3A_67] : memref<50x128xi32, #tpu.memory_space<vmem>> -> memref<1x128xi32, #tpu.memory_space<vmem>>
      %dma_wait3A_69 = tpu.memref_squeeze %dma_wait3A_68 : memref<1x128xi32, #tpu.memory_space<vmem>> -> memref<128xi32, #tpu.memory_space<vmem>>
      %dma_wait3A_70 = arith.constant 0 : i32
      %dma_wait3A_71 = arith.constant 0 : i32
      %dma_wait3A_72 = tpu.memref_slice %arg2[%dma_wait3A_70, %dma_wait3A_71] : memref<1000000x128xf32, #tpu.memory_space<hbm>> -> memref<1000000x128xf32, #tpu.memory_space<hbm>>
      tpu.wait_indirect_dma semaphore(%arg17 : memref<!tpu.dma_semaphore, #tpu.memory_space<semaphore_mem>>) src(%dma_wait3A_72 : memref<1000000x128xf32, #tpu.memory_space<hbm>>) dst(%arg12 : memref<128x128xf32, #tpu.memory_space<vmem>>)
      %ge3A = arith.constant 2 : i32
      %ge3A_73 = arith.cmpi sge, %add3A_66, %ge3A : i32
      %convert_element_type3A = arith.extui %ge3A_73 : i1 to i32
      %cond3A = arith.constant 0 : i32
      %cond3A_74 = arith.cmpi ne, %convert_element_type3A, %cond3A : i32
      scf.if %cond3A_74 {
        %dma_wait3A_122 = arith.constant 0 : i32
        %dma_wait3A_123 = tpu.memref_slice %arg7[%mul3A_2, %dma_wait3A_122] : memref<204800x128xf32, #tpu.memory_space<hbm>> -> memref<128x128xf32, #tpu.memory_space<hbm>>
        %dma_wait3A_124 = arith.constant 0 : i32
        %dma_wait3A_125 = tpu.memref_slice %arg7[%mul3A_2, %dma_wait3A_124] : memref<204800x128xf32, #tpu.memory_space<hbm>> -> memref<128x128xf32, #tpu.memory_space<hbm>>
        tpu.wait_dma2 semaphore(%arg19 : memref<!tpu.dma_semaphore, #tpu.memory_space<semaphore_mem>>) src(%arg14 : memref<128x128xf32, #tpu.memory_space<vmem>>) dst(%dma_wait3A_125 : memref<128x128xf32, #tpu.memory_space<hbm>>)
      } else {
      }
      %parallel_loop3A = arith.constant 0 : i32
      %parallel_loop3A_75 = arith.constant 128 : i32
      %parallel_loop3A_76 = arith.constant 1 : i32
      scf.for %parallel_loop3A_122 = %parallel_loop3A to %parallel_loop3A_75 step %parallel_loop3A_76  : i32 {
        %parallel_loop3A_123 = arith.constant 128 : i32
        %parallel_loop3A_124 = arith.muli %add3A_66, %parallel_loop3A_123 : i32
        %parallel_loop3A_125 = arith.addi %parallel_loop3A_124, %parallel_loop3A_122 : i32
        %parallel_loop3A_126 = arith.constant 200 : i32
        %parallel_loop3A_127 = arith.remsi %parallel_loop3A_125, %parallel_loop3A_126 : i32
        %parallel_loop3A_128 = arith.index_cast %parallel_loop3A_122 : i32 to index
        %parallel_loop3A_129 = arith.constant 0 : index
        %parallel_loop3A_130 = tpu.vector_load %arg12[%parallel_loop3A_128, %parallel_loop3A_129] {strides = array<i32>} : memref<128x128xf32, #tpu.memory_space<vmem>>, vector<16xf32>,
        %parallel_loop3A_131 = arith.index_cast %parallel_loop3A_127 : i32 to index
        %parallel_loop3A_132 = arith.constant 0 : index
        %parallel_loop3A_133 = tpu.vector_load %arg9[%parallel_loop3A_131, %parallel_loop3A_132] {strides = array<i32>} : memref<200x128xf32, #tpu.memory_space<vmem>>, vector<16xf32>,
        %parallel_loop3A_134 = arith.addf %parallel_loop3A_130, %parallel_loop3A_133 : vector<16xf32>
        %parallel_loop3A_135 = arith.index_cast %parallel_loop3A_122 : i32 to index
        %parallel_loop3A_136 = arith.constant 16 : index
        %parallel_loop3A_137 = tpu.vector_load %arg12[%parallel_loop3A_135, %parallel_loop3A_136] {strides = array<i32>} : memref<128x128xf32, #tpu.memory_space<vmem>>, vector<16xf32>,
        %parallel_loop3A_138 = arith.index_cast %parallel_loop3A_127 : i32 to index
        %parallel_loop3A_139 = arith.constant 16 : index
        %parallel_loop3A_140 = tpu.vector_load %arg9[%parallel_loop3A_138, %parallel_loop3A_139] {strides = array<i32>} : memref<200x128xf32, #tpu.memory_space<vmem>>, vector<16xf32>,
        %parallel_loop3A_141 = arith.addf %parallel_loop3A_137, %parallel_loop3A_140 : vector<16xf32>
        %parallel_loop3A_142 = arith.index_cast %parallel_loop3A_122 : i32 to index
        %parallel_loop3A_143 = arith.constant 32 : index
        %parallel_loop3A_144 = tpu.vector_load %arg12[%parallel_loop3A_142, %parallel_loop3A_143] {strides = array<i32>} : memref<128x128xf32, #tpu.memory_space<vmem>>, vector<16xf32>,
        %parallel_loop3A_145 = arith.index_cast %parallel_loop3A_127 : i32 to index
        %parallel_loop3A_146 = arith.constant 32 : index
        %parallel_loop3A_147 = tpu.vector_load %arg9[%parallel_loop3A_145, %parallel_loop3A_146] {strides = array<i32>} : memref<200x128xf32, #tpu.memory_space<vmem>>, vector<16xf32>,
        %parallel_loop3A_148 = arith.addf %parallel_loop3A_144, %parallel_loop3A_147 : vector<16xf32>
        %parallel_loop3A_149 = arith.index_cast %parallel_loop3A_122 : i32 to index
        %parallel_loop3A_150 = arith.constant 48 : index
        %parallel_loop3A_151 = tpu.vector_load %arg12[%parallel_loop3A_149, %parallel_loop3A_150] {strides = array<i32>} : memref<128x128xf32, #tpu.memory_space<vmem>>, vector<16xf32>,
        %parallel_loop3A_152 = arith.index_cast %parallel_loop3A_127 : i32 to index
        %parallel_loop3A_153 = arith.constant 48 : index
        %parallel_loop3A_154 = tpu.vector_load %arg9[%parallel_loop3A_152, %parallel_loop3A_153] {strides = array<i32>} : memref<200x128xf32, #tpu.memory_space<vmem>>, vector<16xf32>,
        %parallel_loop3A_155 = arith.addf %parallel_loop3A_151, %parallel_loop3A_154 : vector<16xf32>
        %parallel_loop3A_156 = arith.index_cast %parallel_loop3A_122 : i32 to index
        %parallel_loop3A_157 = arith.constant 64 : index
        %parallel_loop3A_158 = tpu.vector_load %arg12[%parallel_loop3A_156, %parallel_loop3A_157] {strides = array<i32>} : memref<128x128xf32, #tpu.memory_space<vmem>>, vector<16xf32>,
        %parallel_loop3A_159 = arith.index_cast %parallel_loop3A_127 : i32 to index
        %parallel_loop3A_160 = arith.constant 64 : index
        %parallel_loop3A_161 = tpu.vector_load %arg9[%parallel_loop3A_159, %parallel_loop3A_160] {strides = array<i32>} : memref<200x128xf32, #tpu.memory_space<vmem>>, vector<16xf32>,
        %parallel_loop3A_162 = arith.addf %parallel_loop3A_158, %parallel_loop3A_161 : vector<16xf32>
        %parallel_loop3A_163 = arith.index_cast %parallel_loop3A_122 : i32 to index
        %parallel_loop3A_164 = arith.constant 80 : index
        %parallel_loop3A_165 = tpu.vector_load %arg12[%parallel_loop3A_163, %parallel_loop3A_164] {strides = array<i32>} : memref<128x128xf32, #tpu.memory_space<vmem>>, vector<16xf32>,
        %parallel_loop3A_166 = arith.index_cast %parallel_loop3A_127 : i32 to index
        %parallel_loop3A_167 = arith.constant 80 : index
        %parallel_loop3A_168 = tpu.vector_load %arg9[%parallel_loop3A_166, %parallel_loop3A_167] {strides = array<i32>} : memref<200x128xf32, #tpu.memory_space<vmem>>, vector<16xf32>,
        %parallel_loop3A_169 = arith.addf %parallel_loop3A_165, %parallel_loop3A_168 : vector<16xf32>
        %parallel_loop3A_170 = arith.index_cast %parallel_loop3A_122 : i32 to index
        %parallel_loop3A_171 = arith.constant 96 : index
        %parallel_loop3A_172 = tpu.vector_load %arg12[%parallel_loop3A_170, %parallel_loop3A_171] {strides = array<i32>} : memref<128x128xf32, #tpu.memory_space<vmem>>, vector<16xf32>,
        %parallel_loop3A_173 = arith.index_cast %parallel_loop3A_127 : i32 to index
        %parallel_loop3A_174 = arith.constant 96 : index
        %parallel_loop3A_175 = tpu.vector_load %arg9[%parallel_loop3A_173, %parallel_loop3A_174] {strides = array<i32>} : memref<200x128xf32, #tpu.memory_space<vmem>>, vector<16xf32>,
        %parallel_loop3A_176 = arith.addf %parallel_loop3A_172, %parallel_loop3A_175 : vector<16xf32>
        %parallel_loop3A_177 = arith.index_cast %parallel_loop3A_122 : i32 to index
        %parallel_loop3A_178 = arith.constant 112 : index
        %parallel_loop3A_179 = tpu.vector_load %arg12[%parallel_loop3A_177, %parallel_loop3A_178] {strides = array<i32>} : memref<128x128xf32, #tpu.memory_space<vmem>>, vector<16xf32>,
        %parallel_loop3A_180 = arith.index_cast %parallel_loop3A_127 : i32 to index
        %parallel_loop3A_181 = arith.constant 112 : index
        %parallel_loop3A_182 = tpu.vector_load %arg9[%parallel_loop3A_180, %parallel_loop3A_181] {strides = array<i32>} : memref<200x128xf32, #tpu.memory_space<vmem>>, vector<16xf32>,
        %parallel_loop3A_183 = arith.addf %parallel_loop3A_179, %parallel_loop3A_182 : vector<16xf32>
        %parallel_loop3A_184 = arith.mulf %parallel_loop3A_134, %parallel_loop3A_134 : vector<16xf32>
        %parallel_loop3A_185 = arith.mulf %parallel_loop3A_141, %parallel_loop3A_141 : vector<16xf32>
        %parallel_loop3A_186 = arith.mulf %parallel_loop3A_148, %parallel_loop3A_148 : vector<16xf32>
        %parallel_loop3A_187 = arith.mulf %parallel_loop3A_155, %parallel_loop3A_155 : vector<16xf32>
        %parallel_loop3A_188 = arith.mulf %parallel_loop3A_162, %parallel_loop3A_162 : vector<16xf32>
        %parallel_loop3A_189 = arith.mulf %parallel_loop3A_169, %parallel_loop3A_169 : vector<16xf32>
        %parallel_loop3A_190 = arith.mulf %parallel_loop3A_176, %parallel_loop3A_176 : vector<16xf32>
        %parallel_loop3A_191 = arith.mulf %parallel_loop3A_183, %parallel_loop3A_183 : vector<16xf32>
        %parallel_loop3A_192 = arith.index_cast %parallel_loop3A_122 : i32 to index
        %parallel_loop3A_193 = arith.constant 0 : index
        %parallel_loop3A_194 = tpu.vector_load %arg16[%parallel_loop3A_192, %parallel_loop3A_193] {strides = array<i32>} : memref<128x16xf32, #tpu.memory_space<vmem>>, vector<16xf32>,
        tpu.vector_store %arg16[%parallel_loop3A_192, %parallel_loop3A_193], %parallel_loop3A_184 {strides = array<i32>} : memref<128x16xf32, #tpu.memory_space<vmem>>, vector<16xf32>,
        %parallel_loop3A_195 = arith.index_cast %parallel_loop3A_122 : i32 to index
        %parallel_loop3A_196 = arith.constant 0 : index
        %parallel_loop3A_197 = tpu.vector_load %arg16[%parallel_loop3A_195, %parallel_loop3A_196] {strides = array<i32>} : memref<128x16xf32, #tpu.memory_space<vmem>>, vector<16xf32>,
        tpu.vector_store %arg16[%parallel_loop3A_195, %parallel_loop3A_196], %parallel_loop3A_185 {add = true, strides = array<i32>} : memref<128x16xf32, #tpu.memory_space<vmem>>, vector<16xf32>,
        %parallel_loop3A_198 = arith.index_cast %parallel_loop3A_122 : i32 to index
        %parallel_loop3A_199 = arith.constant 0 : index
        %parallel_loop3A_200 = tpu.vector_load %arg16[%parallel_loop3A_198, %parallel_loop3A_199] {strides = array<i32>} : memref<128x16xf32, #tpu.memory_space<vmem>>, vector<16xf32>,
        tpu.vector_store %arg16[%parallel_loop3A_198, %parallel_loop3A_199], %parallel_loop3A_186 {add = true, strides = array<i32>} : memref<128x16xf32, #tpu.memory_space<vmem>>, vector<16xf32>,
        %parallel_loop3A_201 = arith.index_cast %parallel_loop3A_122 : i32 to index
        %parallel_loop3A_202 = arith.constant 0 : index
        %parallel_loop3A_203 = tpu.vector_load %arg16[%parallel_loop3A_201, %parallel_loop3A_202] {strides = array<i32>} : memref<128x16xf32, #tpu.memory_space<vmem>>, vector<16xf32>,
        tpu.vector_store %arg16[%parallel_loop3A_201, %parallel_loop3A_202], %parallel_loop3A_187 {add = true, strides = array<i32>} : memref<128x16xf32, #tpu.memory_space<vmem>>, vector<16xf32>,
        %parallel_loop3A_204 = arith.index_cast %parallel_loop3A_122 : i32 to index
        %parallel_loop3A_205 = arith.constant 0 : index
        %parallel_loop3A_206 = tpu.vector_load %arg16[%parallel_loop3A_204, %parallel_loop3A_205] {strides = array<i32>} : memref<128x16xf32, #tpu.memory_space<vmem>>, vector<16xf32>,
        tpu.vector_store %arg16[%parallel_loop3A_204, %parallel_loop3A_205], %parallel_loop3A_188 {add = true, strides = array<i32>} : memref<128x16xf32, #tpu.memory_space<vmem>>, vector<16xf32>,
        %parallel_loop3A_207 = arith.index_cast %parallel_loop3A_122 : i32 to index
        %parallel_loop3A_208 = arith.constant 0 : index
        %parallel_loop3A_209 = tpu.vector_load %arg16[%parallel_loop3A_207, %parallel_loop3A_208] {strides = array<i32>} : memref<128x16xf32, #tpu.memory_space<vmem>>, vector<16xf32>,
        tpu.vector_store %arg16[%parallel_loop3A_207, %parallel_loop3A_208], %parallel_loop3A_189 {add = true, strides = array<i32>} : memref<128x16xf32, #tpu.memory_space<vmem>>, vector<16xf32>,
        %parallel_loop3A_210 = arith.index_cast %parallel_loop3A_122 : i32 to index
        %parallel_loop3A_211 = arith.constant 0 : index
        %parallel_loop3A_212 = tpu.vector_load %arg16[%parallel_loop3A_210, %parallel_loop3A_211] {strides = array<i32>} : memref<128x16xf32, #tpu.memory_space<vmem>>, vector<16xf32>,
        tpu.vector_store %arg16[%parallel_loop3A_210, %parallel_loop3A_211], %parallel_loop3A_190 {add = true, strides = array<i32>} : memref<128x16xf32, #tpu.memory_space<vmem>>, vector<16xf32>,
        %parallel_loop3A_213 = arith.index_cast %parallel_loop3A_122 : i32 to index
        %parallel_loop3A_214 = arith.constant 0 : index
        %parallel_loop3A_215 = tpu.vector_load %arg16[%parallel_loop3A_213, %parallel_loop3A_214] {strides = array<i32>} : memref<128x16xf32, #tpu.memory_space<vmem>>, vector<16xf32>,
        tpu.vector_store %arg16[%parallel_loop3A_213, %parallel_loop3A_214], %parallel_loop3A_191 {add = true, strides = array<i32>} : memref<128x16xf32, #tpu.memory_space<vmem>>, vector<16xf32>,
        %parallel_loop3A_216 = arith.addf %parallel_loop3A_134, %parallel_loop3A_141 : vector<16xf32>
        %parallel_loop3A_217 = arith.addf %parallel_loop3A_148, %parallel_loop3A_155 : vector<16xf32>
        %parallel_loop3A_218 = arith.addf %parallel_loop3A_162, %parallel_loop3A_169 : vector<16xf32>
        %parallel_loop3A_219 = arith.addf %parallel_loop3A_176, %parallel_loop3A_183 : vector<16xf32>
        %parallel_loop3A_220 = arith.addf %parallel_loop3A_216, %parallel_loop3A_217 : vector<16xf32>
        %parallel_loop3A_221 = arith.addf %parallel_loop3A_218, %parallel_loop3A_219 : vector<16xf32>
        %parallel_loop3A_222 = arith.addf %parallel_loop3A_220, %parallel_loop3A_221 : vector<16xf32>
        %parallel_loop3A_223 = arith.constant true
        %parallel_loop3A_224 = vector.broadcast %parallel_loop3A_223 : i1 to vector<16xi1>
        %parallel_loop3A_225 = tpu.scan <sum>, %parallel_loop3A_222 masked %parallel_loop3A_224 : vector<16xf32>, vector<16xi1> -> vector<16xf32>
        %parallel_loop3A_226 = arith.index_cast %parallel_loop3A_122 : i32 to index
        %parallel_loop3A_227 = arith.constant 0 : index
        %parallel_loop3A_228 = tpu.vector_load %arg16[%parallel_loop3A_226, %parallel_loop3A_227] {strides = array<i32>} : memref<128x16xf32, #tpu.memory_space<vmem>>, vector<16xf32>,
        %parallel_loop3A_229 = arith.constant true
        %parallel_loop3A_230 = vector.broadcast %parallel_loop3A_229 : i1 to vector<16xi1>
        %parallel_loop3A_231 = tpu.scan <sum>, %parallel_loop3A_228 masked %parallel_loop3A_230 : vector<16xf32>, vector<16xi1> -> vector<16xf32>
        %parallel_loop3A_232 = vector.shape_cast %broadcast_in_dim3A_36 : vector<16x1xi32> to vector<16xi32>
        %parallel_loop3A_233 = tpu.dynamic_gather %parallel_loop3A_225[%parallel_loop3A_232] in [0] : vector<16xf32>, vector<16xi32> -> vector<16xf32>
        %parallel_loop3A_234 = vector.shape_cast %broadcast_in_dim3A_36 : vector<16x1xi32> to vector<16xi32>
        %parallel_loop3A_235 = tpu.dynamic_gather %parallel_loop3A_231[%parallel_loop3A_234] in [0] : vector<16xf32>, vector<16xi32> -> vector<16xf32>
        %parallel_loop3A_236 = arith.constant 7.812500e-03 : f32
        %parallel_loop3A_237 = vector.broadcast %parallel_loop3A_236 : f32 to vector<16xf32>
        %parallel_loop3A_238 = arith.mulf %parallel_loop3A_233, %parallel_loop3A_237 : vector<16xf32>
        %parallel_loop3A_239 = arith.constant 7.812500e-03 : f32
        %parallel_loop3A_240 = vector.broadcast %parallel_loop3A_239 : f32 to vector<16xf32>
        %parallel_loop3A_241 = arith.mulf %parallel_loop3A_235, %parallel_loop3A_240 : vector<16xf32>
        %parallel_loop3A_242 = arith.mulf %parallel_loop3A_238, %parallel_loop3A_238 : vector<16xf32>
        %parallel_loop3A_243 = arith.subf %parallel_loop3A_241, %parallel_loop3A_242 : vector<16xf32>
        %parallel_loop3A_244 = arith.constant 9.99999974E-6 : f32
        %parallel_loop3A_245 = vector.broadcast %parallel_loop3A_244 : f32 to vector<16xf32>
        %parallel_loop3A_246 = arith.addf %parallel_loop3A_243, %parallel_loop3A_245 : vector<16xf32>
        %parallel_loop3A_247 = vector.bitcast %parallel_loop3A_246 : vector<16xf32> to vector<16xi32>
        %parallel_loop3A_248 = arith.constant 1 : i32
        %parallel_loop3A_249 = vector.broadcast %parallel_loop3A_248 : i32 to vector<16xi32>
        %parallel_loop3A_250 = arith.shrui %parallel_loop3A_247, %parallel_loop3A_249 : vector<16xi32>
        %parallel_loop3A_251 = arith.subi %broadcast_in_dim3A_34, %parallel_loop3A_250 : vector<16xi32>
        %parallel_loop3A_252 = vector.bitcast %parallel_loop3A_251 : vector<16xi32> to vector<16xf32>
        %parallel_loop3A_253 = arith.constant 5.000000e-01 : f32
        %parallel_loop3A_254 = vector.broadcast %parallel_loop3A_253 : f32 to vector<16xf32>
        %parallel_loop3A_255 = arith.mulf %parallel_loop3A_246, %parallel_loop3A_254 : vector<16xf32>
        %parallel_loop3A_256 = arith.mulf %parallel_loop3A_255, %parallel_loop3A_252 : vector<16xf32>
        %parallel_loop3A_257 = arith.mulf %parallel_loop3A_256, %parallel_loop3A_252 : vector<16xf32>
        %parallel_loop3A_258 = arith.constant 1.500000e+00 : f32
        %parallel_loop3A_259 = vector.broadcast %parallel_loop3A_258 : f32 to vector<16xf32>
        %parallel_loop3A_260 = arith.subf %parallel_loop3A_259, %parallel_loop3A_257 : vector<16xf32>
        %parallel_loop3A_261 = arith.mulf %parallel_loop3A_252, %parallel_loop3A_260 : vector<16xf32>
        %parallel_loop3A_262 = arith.mulf %parallel_loop3A_255, %parallel_loop3A_261 : vector<16xf32>
        %parallel_loop3A_263 = arith.mulf %parallel_loop3A_262, %parallel_loop3A_261 : vector<16xf32>
        %parallel_loop3A_264 = arith.constant 1.500000e+00 : f32
        %parallel_loop3A_265 = vector.broadcast %parallel_loop3A_264 : f32 to vector<16xf32>
        %parallel_loop3A_266 = arith.subf %parallel_loop3A_265, %parallel_loop3A_263 : vector<16xf32>
        %parallel_loop3A_267 = arith.mulf %parallel_loop3A_261, %parallel_loop3A_266 : vector<16xf32>
        %parallel_loop3A_268 = arith.subf %parallel_loop3A_134, %parallel_loop3A_238 : vector<16xf32>
        %parallel_loop3A_269 = arith.mulf %parallel_loop3A_268, %parallel_loop3A_267 : vector<16xf32>
        %parallel_loop3A_270 = arith.mulf %parallel_loop3A_269, %get3A_3 : vector<16xf32>
        %parallel_loop3A_271 = arith.addf %parallel_loop3A_270, %get3A_19 : vector<16xf32>
        %parallel_loop3A_272 = arith.subf %parallel_loop3A_141, %parallel_loop3A_238 : vector<16xf32>
        %parallel_loop3A_273 = arith.mulf %parallel_loop3A_272, %parallel_loop3A_267 : vector<16xf32>
        %parallel_loop3A_274 = arith.mulf %parallel_loop3A_273, %get3A_5 : vector<16xf32>
        %parallel_loop3A_275 = arith.addf %parallel_loop3A_274, %get3A_21 : vector<16xf32>
        %parallel_loop3A_276 = arith.subf %parallel_loop3A_148, %parallel_loop3A_238 : vector<16xf32>
        %parallel_loop3A_277 = arith.mulf %parallel_loop3A_276, %parallel_loop3A_267 : vector<16xf32>
        %parallel_loop3A_278 = arith.mulf %parallel_loop3A_277, %get3A_7 : vector<16xf32>
        %parallel_loop3A_279 = arith.addf %parallel_loop3A_278, %get3A_23 : vector<16xf32>
        %parallel_loop3A_280 = arith.subf %parallel_loop3A_155, %parallel_loop3A_238 : vector<16xf32>
        %parallel_loop3A_281 = arith.mulf %parallel_loop3A_280, %parallel_loop3A_267 : vector<16xf32>
        %parallel_loop3A_282 = arith.mulf %parallel_loop3A_281, %get3A_9 : vector<16xf32>
        %parallel_loop3A_283 = arith.addf %parallel_loop3A_282, %get3A_25 : vector<16xf32>
        %parallel_loop3A_284 = arith.subf %parallel_loop3A_162, %parallel_loop3A_238 : vector<16xf32>
        %parallel_loop3A_285 = arith.mulf %parallel_loop3A_284, %parallel_loop3A_267 : vector<16xf32>
        %parallel_loop3A_286 = arith.mulf %parallel_loop3A_285, %get3A_11 : vector<16xf32>
        %parallel_loop3A_287 = arith.addf %parallel_loop3A_286, %get3A_27 : vector<16xf32>
        %parallel_loop3A_288 = arith.subf %parallel_loop3A_169, %parallel_loop3A_238 : vector<16xf32>
        %parallel_loop3A_289 = arith.mulf %parallel_loop3A_288, %parallel_loop3A_267 : vector<16xf32>
        %parallel_loop3A_290 = arith.mulf %parallel_loop3A_289, %get3A_13 : vector<16xf32>
        %parallel_loop3A_291 = arith.addf %parallel_loop3A_290, %get3A_29 : vector<16xf32>
        %parallel_loop3A_292 = arith.subf %parallel_loop3A_176, %parallel_loop3A_238 : vector<16xf32>
        %parallel_loop3A_293 = arith.mulf %parallel_loop3A_292, %parallel_loop3A_267 : vector<16xf32>
        %parallel_loop3A_294 = arith.mulf %parallel_loop3A_293, %get3A_15 : vector<16xf32>
        %parallel_loop3A_295 = arith.addf %parallel_loop3A_294, %get3A_31 : vector<16xf32>
        %parallel_loop3A_296 = arith.subf %parallel_loop3A_183, %parallel_loop3A_238 : vector<16xf32>
        %parallel_loop3A_297 = arith.mulf %parallel_loop3A_296, %parallel_loop3A_267 : vector<16xf32>
        %parallel_loop3A_298 = arith.mulf %parallel_loop3A_297, %get3A_17 : vector<16xf32>
        %parallel_loop3A_299 = arith.addf %parallel_loop3A_298, %get3A_33 : vector<16xf32>
        %parallel_loop3A_300 = arith.index_cast %parallel_loop3A_122 : i32 to index
        %parallel_loop3A_301 = arith.constant 0 : index
        %parallel_loop3A_302 = tpu.vector_load %arg14[%parallel_loop3A_300, %parallel_loop3A_301] {strides = array<i32>} : memref<128x128xf32, #tpu.memory_space<vmem>>, vector<16xf32>,
        tpu.vector_store %arg14[%parallel_loop3A_300, %parallel_loop3A_301], %parallel_loop3A_271 {strides = array<i32>} : memref<128x128xf32, #tpu.memory_space<vmem>>, vector<16xf32>,
        %parallel_loop3A_303 = arith.index_cast %parallel_loop3A_122 : i32 to index
        %parallel_loop3A_304 = arith.constant 16 : index
        %parallel_loop3A_305 = tpu.vector_load %arg14[%parallel_loop3A_303, %parallel_loop3A_304] {strides = array<i32>} : memref<128x128xf32, #tpu.memory_space<vmem>>, vector<16xf32>,
        tpu.vector_store %arg14[%parallel_loop3A_303, %parallel_loop3A_304], %parallel_loop3A_275 {strides = array<i32>} : memref<128x128xf32, #tpu.memory_space<vmem>>, vector<16xf32>,
        %parallel_loop3A_306 = arith.index_cast %parallel_loop3A_122 : i32 to index
        %parallel_loop3A_307 = arith.constant 32 : index
        %parallel_loop3A_308 = tpu.vector_load %arg14[%parallel_loop3A_306, %parallel_loop3A_307] {strides = array<i32>} : memref<128x128xf32, #tpu.memory_space<vmem>>, vector<16xf32>,
        tpu.vector_store %arg14[%parallel_loop3A_306, %parallel_loop3A_307], %parallel_loop3A_279 {strides = array<i32>} : memref<128x128xf32, #tpu.memory_space<vmem>>, vector<16xf32>,
        %parallel_loop3A_309 = arith.index_cast %parallel_loop3A_122 : i32 to index
        %parallel_loop3A_310 = arith.constant 48 : index
        %parallel_loop3A_311 = tpu.vector_load %arg14[%parallel_loop3A_309, %parallel_loop3A_310] {strides = array<i32>} : memref<128x128xf32, #tpu.memory_space<vmem>>, vector<16xf32>,
        tpu.vector_store %arg14[%parallel_loop3A_309, %parallel_loop3A_310], %parallel_loop3A_283 {strides = array<i32>} : memref<128x128xf32, #tpu.memory_space<vmem>>, vector<16xf32>,
        %parallel_loop3A_312 = arith.index_cast %parallel_loop3A_122 : i32 to index
        %parallel_loop3A_313 = arith.constant 64 : index
        %parallel_loop3A_314 = tpu.vector_load %arg14[%parallel_loop3A_312, %parallel_loop3A_313] {strides = array<i32>} : memref<128x128xf32, #tpu.memory_space<vmem>>, vector<16xf32>,
        tpu.vector_store %arg14[%parallel_loop3A_312, %parallel_loop3A_313], %parallel_loop3A_287 {strides = array<i32>} : memref<128x128xf32, #tpu.memory_space<vmem>>, vector<16xf32>,
        %parallel_loop3A_315 = arith.index_cast %parallel_loop3A_122 : i32 to index
        %parallel_loop3A_316 = arith.constant 80 : index
        %parallel_loop3A_317 = tpu.vector_load %arg14[%parallel_loop3A_315, %parallel_loop3A_316] {strides = array<i32>} : memref<128x128xf32, #tpu.memory_space<vmem>>, vector<16xf32>,
        tpu.vector_store %arg14[%parallel_loop3A_315, %parallel_loop3A_316], %parallel_loop3A_291 {strides = array<i32>} : memref<128x128xf32, #tpu.memory_space<vmem>>, vector<16xf32>,
        %parallel_loop3A_318 = arith.index_cast %parallel_loop3A_122 : i32 to index
        %parallel_loop3A_319 = arith.constant 96 : index
        %parallel_loop3A_320 = tpu.vector_load %arg14[%parallel_loop3A_318, %parallel_loop3A_319] {strides = array<i32>} : memref<128x128xf32, #tpu.memory_space<vmem>>, vector<16xf32>,
        tpu.vector_store %arg14[%parallel_loop3A_318, %parallel_loop3A_319], %parallel_loop3A_295 {strides = array<i32>} : memref<128x128xf32, #tpu.memory_space<vmem>>, vector<16xf32>,
        %parallel_loop3A_321 = arith.index_cast %parallel_loop3A_122 : i32 to index
        %parallel_loop3A_322 = arith.constant 112 : index
        %parallel_loop3A_323 = tpu.vector_load %arg14[%parallel_loop3A_321, %parallel_loop3A_322] {strides = array<i32>} : memref<128x128xf32, #tpu.memory_space<vmem>>, vector<16xf32>,
        tpu.vector_store %arg14[%parallel_loop3A_321, %parallel_loop3A_322], %parallel_loop3A_299 {strides = array<i32>} : memref<128x128xf32, #tpu.memory_space<vmem>>, vector<16xf32>,
      } {sc.loop_unroll_factor = 1 : i64, sc.parallel_access}
      %mul3A_77 = arith.constant 128 : i32
      %mul3A_78 = arith.muli %add3A_66, %mul3A_77 : i32
      %add3A_79 = arith.addi %mul3A_2, %mul3A_78 : i32
      %dma_start3A_80 = arith.constant 0 : i32
      %dma_start3A_81 = tpu.memref_slice %arg7[%add3A_79, %dma_start3A_80] : memref<204800x128xf32, #tpu.memory_space<hbm>> -> memref<128x128xf32, #tpu.memory_space<hbm>>
      %dma_start3A_82 = arith.constant 0 : i32
      %dma_start3A_83 = tpu.memref_slice %arg7[%add3A_79, %dma_start3A_82] : memref<204800x128xf32, #tpu.memory_space<hbm>> -> memref<128x128xf32, #tpu.memory_space<hbm>>
      tpu.enqueue_dma source(%arg14 : memref<128x128xf32, #tpu.memory_space<vmem>>) target(%dma_start3A_83 : memref<128x128xf32, #tpu.memory_space<hbm>>) target_semaphore(%arg19 : memref<!tpu.dma_semaphore, #tpu.memory_space<semaphore_mem>>)
      %add3A_84 = arith.constant 2 : i32
      %add3A_85 = arith.addi %add3A_66, %add3A_84 : i32
      %lt3A = arith.constant 50 : i32
      %lt3A_86 = arith.cmpi slt, %add3A_85, %lt3A : i32
      %convert_element_type3A_87 = arith.extui %lt3A_86 : i1 to i32
      %cond3A_88 = arith.constant 0 : i32
      %cond3A_89 = arith.cmpi ne, %convert_element_type3A_87, %cond3A_88 : i32
      scf.if %cond3A_89 {
        %add3A_122 = arith.constant 2 : i32
        %add3A_123 = arith.addi %add3A_66, %add3A_122 : i32
        %dma_start3A_124 = arith.constant 0 : i32
        %dma_start3A_125 = tpu.memref_slice %arg8[%add3A_123, %dma_start3A_124] : memref<50x128xi32, #tpu.memory_space<vmem>> -> memref<1x128xi32, #tpu.memory_space<vmem>>
        %dma_start3A_126 = tpu.memref_squeeze %dma_start3A_125 : memref<1x128xi32, #tpu.memory_space<vmem>> -> memref<128xi32, #tpu.memory_space<vmem>>
        %dma_start3A_127 = arith.constant 0 : i32
        %dma_start3A_128 = arith.constant 0 : i32
        %dma_start3A_129 = tpu.memref_slice %arg2[%dma_start3A_127, %dma_start3A_128] : memref<1000000x128xf32, #tpu.memory_space<hbm>> -> memref<1000000x128xf32, #tpu.memory_space<hbm>>
        tpu.enqueue_indirect_dma source(%dma_start3A_129 : memref<1000000x128xf32, #tpu.memory_space<hbm>>) target(%arg12 : memref<128x128xf32, #tpu.memory_space<vmem>>) offsets(%dma_start3A_126 : memref<128xi32, #tpu.memory_space<vmem>>) semaphore(%arg17 : memref<!tpu.dma_semaphore, #tpu.memory_space<semaphore_mem>>)
      } else {
      }
      %mul3A_90 = arith.constant 2 : i32
      %mul3A_91 = arith.muli %scan3A_62, %mul3A_90 : i32
      %add3A_92 = arith.constant 1 : i32
      %add3A_93 = arith.addi %mul3A_91, %add3A_92 : i32
      %dma_wait3A_94 = arith.constant 0 : i32
      %dma_wait3A_95 = tpu.memref_slice %arg8[%add3A_93, %dma_wait3A_94] : memref<50x128xi32, #tpu.memory_space<vmem>> -> memref<1x128xi32, #tpu.memory_space<vmem>>
      %dma_wait3A_96 = tpu.memref_squeeze %dma_wait3A_95 : memref<1x128xi32, #tpu.memory_space<vmem>> -> memref<128xi32, #tpu.memory_space<vmem>>
      %dma_wait3A_97 = arith.constant 0 : i32
      %dma_wait3A_98 = arith.constant 0 : i32
      %dma_wait3A_99 = tpu.memref_slice %arg2[%dma_wait3A_97, %dma_wait3A_98] : memref<1000000x128xf32, #tpu.memory_space<hbm>> -> memref<1000000x128xf32, #tpu.memory_space<hbm>>
      tpu.wait_indirect_dma semaphore(%arg18 : memref<!tpu.dma_semaphore, #tpu.memory_space<semaphore_mem>>) src(%dma_wait3A_99 : memref<1000000x128xf32, #tpu.memory_space<hbm>>) dst(%arg13 : memref<128x128xf32, #tpu.memory_space<vmem>>)
      %ge3A_100 = arith.constant 2 : i32
      %ge3A_101 = arith.cmpi sge, %add3A_93, %ge3A_100 : i32
      %convert_element_type3A_102 = arith.extui %ge3A_101 : i1 to i32
      %cond3A_103 = arith.constant 0 : i32
      %cond3A_104 = arith.cmpi ne, %convert_element_type3A_102, %cond3A_103 : i32
      scf.if %cond3A_104 {
        %dma_wait3A_122 = arith.constant 0 : i32
        %dma_wait3A_123 = tpu.memref_slice %arg7[%mul3A_2, %dma_wait3A_122] : memref<204800x128xf32, #tpu.memory_space<hbm>> -> memref<128x128xf32, #tpu.memory_space<hbm>>
        %dma_wait3A_124 = arith.constant 0 : i32
        %dma_wait3A_125 = tpu.memref_slice %arg7[%mul3A_2, %dma_wait3A_124] : memref<204800x128xf32, #tpu.memory_space<hbm>> -> memref<128x128xf32, #tpu.memory_space<hbm>>
        tpu.wait_dma2 semaphore(%arg20 : memref<!tpu.dma_semaphore, #tpu.memory_space<semaphore_mem>>) src(%arg15 : memref<128x128xf32, #tpu.memory_space<vmem>>) dst(%dma_wait3A_125 : memref<128x128xf32, #tpu.memory_space<hbm>>)
      } else {
      }
      %parallel_loop3A_105 = arith.constant 0 : i32
      %parallel_loop3A_106 = arith.constant 128 : i32
      %parallel_loop3A_107 = arith.constant 1 : i32
      scf.for %parallel_loop3A_122 = %parallel_loop3A_105 to %parallel_loop3A_106 step %parallel_loop3A_107  : i32 {
        %parallel_loop3A_123 = arith.constant 128 : i32
        %parallel_loop3A_124 = arith.muli %add3A_93, %parallel_loop3A_123 : i32
        %parallel_loop3A_125 = arith.addi %parallel_loop3A_124, %parallel_loop3A_122 : i32
        %parallel_loop3A_126 = arith.constant 200 : i32
        %parallel_loop3A_127 = arith.remsi %parallel_loop3A_125, %parallel_loop3A_126 : i32
        %parallel_loop3A_128 = arith.index_cast %parallel_loop3A_122 : i32 to index
        %parallel_loop3A_129 = arith.constant 0 : index
        %parallel_loop3A_130 = tpu.vector_load %arg13[%parallel_loop3A_128, %parallel_loop3A_129] {strides = array<i32>} : memref<128x128xf32, #tpu.memory_space<vmem>>, vector<16xf32>,
        %parallel_loop3A_131 = arith.index_cast %parallel_loop3A_127 : i32 to index
        %parallel_loop3A_132 = arith.constant 0 : index
        %parallel_loop3A_133 = tpu.vector_load %arg9[%parallel_loop3A_131, %parallel_loop3A_132] {strides = array<i32>} : memref<200x128xf32, #tpu.memory_space<vmem>>, vector<16xf32>,
        %parallel_loop3A_134 = arith.addf %parallel_loop3A_130, %parallel_loop3A_133 : vector<16xf32>
        %parallel_loop3A_135 = arith.index_cast %parallel_loop3A_122 : i32 to index
        %parallel_loop3A_136 = arith.constant 16 : index
        %parallel_loop3A_137 = tpu.vector_load %arg13[%parallel_loop3A_135, %parallel_loop3A_136] {strides = array<i32>} : memref<128x128xf32, #tpu.memory_space<vmem>>, vector<16xf32>,
        %parallel_loop3A_138 = arith.index_cast %parallel_loop3A_127 : i32 to index
        %parallel_loop3A_139 = arith.constant 16 : index
        %parallel_loop3A_140 = tpu.vector_load %arg9[%parallel_loop3A_138, %parallel_loop3A_139] {strides = array<i32>} : memref<200x128xf32, #tpu.memory_space<vmem>>, vector<16xf32>,
        %parallel_loop3A_141 = arith.addf %parallel_loop3A_137, %parallel_loop3A_140 : vector<16xf32>
        %parallel_loop3A_142 = arith.index_cast %parallel_loop3A_122 : i32 to index
        %parallel_loop3A_143 = arith.constant 32 : index
        %parallel_loop3A_144 = tpu.vector_load %arg13[%parallel_loop3A_142, %parallel_loop3A_143] {strides = array<i32>} : memref<128x128xf32, #tpu.memory_space<vmem>>, vector<16xf32>,
        %parallel_loop3A_145 = arith.index_cast %parallel_loop3A_127 : i32 to index
        %parallel_loop3A_146 = arith.constant 32 : index
        %parallel_loop3A_147 = tpu.vector_load %arg9[%parallel_loop3A_145, %parallel_loop3A_146] {strides = array<i32>} : memref<200x128xf32, #tpu.memory_space<vmem>>, vector<16xf32>,
        %parallel_loop3A_148 = arith.addf %parallel_loop3A_144, %parallel_loop3A_147 : vector<16xf32>
        %parallel_loop3A_149 = arith.index_cast %parallel_loop3A_122 : i32 to index
        %parallel_loop3A_150 = arith.constant 48 : index
        %parallel_loop3A_151 = tpu.vector_load %arg13[%parallel_loop3A_149, %parallel_loop3A_150] {strides = array<i32>} : memref<128x128xf32, #tpu.memory_space<vmem>>, vector<16xf32>,
        %parallel_loop3A_152 = arith.index_cast %parallel_loop3A_127 : i32 to index
        %parallel_loop3A_153 = arith.constant 48 : index
        %parallel_loop3A_154 = tpu.vector_load %arg9[%parallel_loop3A_152, %parallel_loop3A_153] {strides = array<i32>} : memref<200x128xf32, #tpu.memory_space<vmem>>, vector<16xf32>,
        %parallel_loop3A_155 = arith.addf %parallel_loop3A_151, %parallel_loop3A_154 : vector<16xf32>
        %parallel_loop3A_156 = arith.index_cast %parallel_loop3A_122 : i32 to index
        %parallel_loop3A_157 = arith.constant 64 : index
        %parallel_loop3A_158 = tpu.vector_load %arg13[%parallel_loop3A_156, %parallel_loop3A_157] {strides = array<i32>} : memref<128x128xf32, #tpu.memory_space<vmem>>, vector<16xf32>,
        %parallel_loop3A_159 = arith.index_cast %parallel_loop3A_127 : i32 to index
        %parallel_loop3A_160 = arith.constant 64 : index
        %parallel_loop3A_161 = tpu.vector_load %arg9[%parallel_loop3A_159, %parallel_loop3A_160] {strides = array<i32>} : memref<200x128xf32, #tpu.memory_space<vmem>>, vector<16xf32>,
        %parallel_loop3A_162 = arith.addf %parallel_loop3A_158, %parallel_loop3A_161 : vector<16xf32>
        %parallel_loop3A_163 = arith.index_cast %parallel_loop3A_122 : i32 to index
        %parallel_loop3A_164 = arith.constant 80 : index
        %parallel_loop3A_165 = tpu.vector_load %arg13[%parallel_loop3A_163, %parallel_loop3A_164] {strides = array<i32>} : memref<128x128xf32, #tpu.memory_space<vmem>>, vector<16xf32>,
        %parallel_loop3A_166 = arith.index_cast %parallel_loop3A_127 : i32 to index
        %parallel_loop3A_167 = arith.constant 80 : index
        %parallel_loop3A_168 = tpu.vector_load %arg9[%parallel_loop3A_166, %parallel_loop3A_167] {strides = array<i32>} : memref<200x128xf32, #tpu.memory_space<vmem>>, vector<16xf32>,
        %parallel_loop3A_169 = arith.addf %parallel_loop3A_165, %parallel_loop3A_168 : vector<16xf32>
        %parallel_loop3A_170 = arith.index_cast %parallel_loop3A_122 : i32 to index
        %parallel_loop3A_171 = arith.constant 96 : index
        %parallel_loop3A_172 = tpu.vector_load %arg13[%parallel_loop3A_170, %parallel_loop3A_171] {strides = array<i32>} : memref<128x128xf32, #tpu.memory_space<vmem>>, vector<16xf32>,
        %parallel_loop3A_173 = arith.index_cast %parallel_loop3A_127 : i32 to index
        %parallel_loop3A_174 = arith.constant 96 : index
        %parallel_loop3A_175 = tpu.vector_load %arg9[%parallel_loop3A_173, %parallel_loop3A_174] {strides = array<i32>} : memref<200x128xf32, #tpu.memory_space<vmem>>, vector<16xf32>,
        %parallel_loop3A_176 = arith.addf %parallel_loop3A_172, %parallel_loop3A_175 : vector<16xf32>
        %parallel_loop3A_177 = arith.index_cast %parallel_loop3A_122 : i32 to index
        %parallel_loop3A_178 = arith.constant 112 : index
        %parallel_loop3A_179 = tpu.vector_load %arg13[%parallel_loop3A_177, %parallel_loop3A_178] {strides = array<i32>} : memref<128x128xf32, #tpu.memory_space<vmem>>, vector<16xf32>,
        %parallel_loop3A_180 = arith.index_cast %parallel_loop3A_127 : i32 to index
        %parallel_loop3A_181 = arith.constant 112 : index
        %parallel_loop3A_182 = tpu.vector_load %arg9[%parallel_loop3A_180, %parallel_loop3A_181] {strides = array<i32>} : memref<200x128xf32, #tpu.memory_space<vmem>>, vector<16xf32>,
        %parallel_loop3A_183 = arith.addf %parallel_loop3A_179, %parallel_loop3A_182 : vector<16xf32>
        %parallel_loop3A_184 = arith.mulf %parallel_loop3A_134, %parallel_loop3A_134 : vector<16xf32>
        %parallel_loop3A_185 = arith.mulf %parallel_loop3A_141, %parallel_loop3A_141 : vector<16xf32>
        %parallel_loop3A_186 = arith.mulf %parallel_loop3A_148, %parallel_loop3A_148 : vector<16xf32>
        %parallel_loop3A_187 = arith.mulf %parallel_loop3A_155, %parallel_loop3A_155 : vector<16xf32>
        %parallel_loop3A_188 = arith.mulf %parallel_loop3A_162, %parallel_loop3A_162 : vector<16xf32>
        %parallel_loop3A_189 = arith.mulf %parallel_loop3A_169, %parallel_loop3A_169 : vector<16xf32>
        %parallel_loop3A_190 = arith.mulf %parallel_loop3A_176, %parallel_loop3A_176 : vector<16xf32>
        %parallel_loop3A_191 = arith.mulf %parallel_loop3A_183, %parallel_loop3A_183 : vector<16xf32>
        %parallel_loop3A_192 = arith.index_cast %parallel_loop3A_122 : i32 to index
        %parallel_loop3A_193 = arith.constant 0 : index
        %parallel_loop3A_194 = tpu.vector_load %arg16[%parallel_loop3A_192, %parallel_loop3A_193] {strides = array<i32>} : memref<128x16xf32, #tpu.memory_space<vmem>>, vector<16xf32>,
        tpu.vector_store %arg16[%parallel_loop3A_192, %parallel_loop3A_193], %parallel_loop3A_184 {strides = array<i32>} : memref<128x16xf32, #tpu.memory_space<vmem>>, vector<16xf32>,
        %parallel_loop3A_195 = arith.index_cast %parallel_loop3A_122 : i32 to index
        %parallel_loop3A_196 = arith.constant 0 : index
        %parallel_loop3A_197 = tpu.vector_load %arg16[%parallel_loop3A_195, %parallel_loop3A_196] {strides = array<i32>} : memref<128x16xf32, #tpu.memory_space<vmem>>, vector<16xf32>,
        tpu.vector_store %arg16[%parallel_loop3A_195, %parallel_loop3A_196], %parallel_loop3A_185 {add = true, strides = array<i32>} : memref<128x16xf32, #tpu.memory_space<vmem>>, vector<16xf32>,
        %parallel_loop3A_198 = arith.index_cast %parallel_loop3A_122 : i32 to index
        %parallel_loop3A_199 = arith.constant 0 : index
        %parallel_loop3A_200 = tpu.vector_load %arg16[%parallel_loop3A_198, %parallel_loop3A_199] {strides = array<i32>} : memref<128x16xf32, #tpu.memory_space<vmem>>, vector<16xf32>,
        tpu.vector_store %arg16[%parallel_loop3A_198, %parallel_loop3A_199], %parallel_loop3A_186 {add = true, strides = array<i32>} : memref<128x16xf32, #tpu.memory_space<vmem>>, vector<16xf32>,
        %parallel_loop3A_201 = arith.index_cast %parallel_loop3A_122 : i32 to index
        %parallel_loop3A_202 = arith.constant 0 : index
        %parallel_loop3A_203 = tpu.vector_load %arg16[%parallel_loop3A_201, %parallel_loop3A_202] {strides = array<i32>} : memref<128x16xf32, #tpu.memory_space<vmem>>, vector<16xf32>,
        tpu.vector_store %arg16[%parallel_loop3A_201, %parallel_loop3A_202], %parallel_loop3A_187 {add = true, strides = array<i32>} : memref<128x16xf32, #tpu.memory_space<vmem>>, vector<16xf32>,
        %parallel_loop3A_204 = arith.index_cast %parallel_loop3A_122 : i32 to index
        %parallel_loop3A_205 = arith.constant 0 : index
        %parallel_loop3A_206 = tpu.vector_load %arg16[%parallel_loop3A_204, %parallel_loop3A_205] {strides = array<i32>} : memref<128x16xf32, #tpu.memory_space<vmem>>, vector<16xf32>,
        tpu.vector_store %arg16[%parallel_loop3A_204, %parallel_loop3A_205], %parallel_loop3A_188 {add = true, strides = array<i32>} : memref<128x16xf32, #tpu.memory_space<vmem>>, vector<16xf32>,
        %parallel_loop3A_207 = arith.index_cast %parallel_loop3A_122 : i32 to index
        %parallel_loop3A_208 = arith.constant 0 : index
        %parallel_loop3A_209 = tpu.vector_load %arg16[%parallel_loop3A_207, %parallel_loop3A_208] {strides = array<i32>} : memref<128x16xf32, #tpu.memory_space<vmem>>, vector<16xf32>,
        tpu.vector_store %arg16[%parallel_loop3A_207, %parallel_loop3A_208], %parallel_loop3A_189 {add = true, strides = array<i32>} : memref<128x16xf32, #tpu.memory_space<vmem>>, vector<16xf32>,
        %parallel_loop3A_210 = arith.index_cast %parallel_loop3A_122 : i32 to index
        %parallel_loop3A_211 = arith.constant 0 : index
        %parallel_loop3A_212 = tpu.vector_load %arg16[%parallel_loop3A_210, %parallel_loop3A_211] {strides = array<i32>} : memref<128x16xf32, #tpu.memory_space<vmem>>, vector<16xf32>,
        tpu.vector_store %arg16[%parallel_loop3A_210, %parallel_loop3A_211], %parallel_loop3A_190 {add = true, strides = array<i32>} : memref<128x16xf32, #tpu.memory_space<vmem>>, vector<16xf32>,
        %parallel_loop3A_213 = arith.index_cast %parallel_loop3A_122 : i32 to index
        %parallel_loop3A_214 = arith.constant 0 : index
        %parallel_loop3A_215 = tpu.vector_load %arg16[%parallel_loop3A_213, %parallel_loop3A_214] {strides = array<i32>} : memref<128x16xf32, #tpu.memory_space<vmem>>, vector<16xf32>,
        tpu.vector_store %arg16[%parallel_loop3A_213, %parallel_loop3A_214], %parallel_loop3A_191 {add = true, strides = array<i32>} : memref<128x16xf32, #tpu.memory_space<vmem>>, vector<16xf32>,
        %parallel_loop3A_216 = arith.addf %parallel_loop3A_134, %parallel_loop3A_141 : vector<16xf32>
        %parallel_loop3A_217 = arith.addf %parallel_loop3A_148, %parallel_loop3A_155 : vector<16xf32>
        %parallel_loop3A_218 = arith.addf %parallel_loop3A_162, %parallel_loop3A_169 : vector<16xf32>
        %parallel_loop3A_219 = arith.addf %parallel_loop3A_176, %parallel_loop3A_183 : vector<16xf32>
        %parallel_loop3A_220 = arith.addf %parallel_loop3A_216, %parallel_loop3A_217 : vector<16xf32>
        %parallel_loop3A_221 = arith.addf %parallel_loop3A_218, %parallel_loop3A_219 : vector<16xf32>
        %parallel_loop3A_222 = arith.addf %parallel_loop3A_220, %parallel_loop3A_221 : vector<16xf32>
        %parallel_loop3A_223 = arith.constant true
        %parallel_loop3A_224 = vector.broadcast %parallel_loop3A_223 : i1 to vector<16xi1>
        %parallel_loop3A_225 = tpu.scan <sum>, %parallel_loop3A_222 masked %parallel_loop3A_224 : vector<16xf32>, vector<16xi1> -> vector<16xf32>
        %parallel_loop3A_226 = arith.index_cast %parallel_loop3A_122 : i32 to index
        %parallel_loop3A_227 = arith.constant 0 : index
        %parallel_loop3A_228 = tpu.vector_load %arg16[%parallel_loop3A_226, %parallel_loop3A_227] {strides = array<i32>} : memref<128x16xf32, #tpu.memory_space<vmem>>, vector<16xf32>,
        %parallel_loop3A_229 = arith.constant true
        %parallel_loop3A_230 = vector.broadcast %parallel_loop3A_229 : i1 to vector<16xi1>
        %parallel_loop3A_231 = tpu.scan <sum>, %parallel_loop3A_228 masked %parallel_loop3A_230 : vector<16xf32>, vector<16xi1> -> vector<16xf32>
        %parallel_loop3A_232 = vector.shape_cast %broadcast_in_dim3A_36 : vector<16x1xi32> to vector<16xi32>
        %parallel_loop3A_233 = tpu.dynamic_gather %parallel_loop3A_225[%parallel_loop3A_232] in [0] : vector<16xf32>, vector<16xi32> -> vector<16xf32>
        %parallel_loop3A_234 = vector.shape_cast %broadcast_in_dim3A_36 : vector<16x1xi32> to vector<16xi32>
        %parallel_loop3A_235 = tpu.dynamic_gather %parallel_loop3A_231[%parallel_loop3A_234] in [0] : vector<16xf32>, vector<16xi32> -> vector<16xf32>
        %parallel_loop3A_236 = arith.constant 7.812500e-03 : f32
        %parallel_loop3A_237 = vector.broadcast %parallel_loop3A_236 : f32 to vector<16xf32>
        %parallel_loop3A_238 = arith.mulf %parallel_loop3A_233, %parallel_loop3A_237 : vector<16xf32>
        %parallel_loop3A_239 = arith.constant 7.812500e-03 : f32
        %parallel_loop3A_240 = vector.broadcast %parallel_loop3A_239 : f32 to vector<16xf32>
        %parallel_loop3A_241 = arith.mulf %parallel_loop3A_235, %parallel_loop3A_240 : vector<16xf32>
        %parallel_loop3A_242 = arith.mulf %parallel_loop3A_238, %parallel_loop3A_238 : vector<16xf32>
        %parallel_loop3A_243 = arith.subf %parallel_loop3A_241, %parallel_loop3A_242 : vector<16xf32>
        %parallel_loop3A_244 = arith.constant 9.99999974E-6 : f32
        %parallel_loop3A_245 = vector.broadcast %parallel_loop3A_244 : f32 to vector<16xf32>
        %parallel_loop3A_246 = arith.addf %parallel_loop3A_243, %parallel_loop3A_245 : vector<16xf32>
        %parallel_loop3A_247 = vector.bitcast %parallel_loop3A_246 : vector<16xf32> to vector<16xi32>
        %parallel_loop3A_248 = arith.constant 1 : i32
        %parallel_loop3A_249 = vector.broadcast %parallel_loop3A_248 : i32 to vector<16xi32>
        %parallel_loop3A_250 = arith.shrui %parallel_loop3A_247, %parallel_loop3A_249 : vector<16xi32>
        %parallel_loop3A_251 = arith.subi %broadcast_in_dim3A_34, %parallel_loop3A_250 : vector<16xi32>
        %parallel_loop3A_252 = vector.bitcast %parallel_loop3A_251 : vector<16xi32> to vector<16xf32>
        %parallel_loop3A_253 = arith.constant 5.000000e-01 : f32
        %parallel_loop3A_254 = vector.broadcast %parallel_loop3A_253 : f32 to vector<16xf32>
        %parallel_loop3A_255 = arith.mulf %parallel_loop3A_246, %parallel_loop3A_254 : vector<16xf32>
        %parallel_loop3A_256 = arith.mulf %parallel_loop3A_255, %parallel_loop3A_252 : vector<16xf32>
        %parallel_loop3A_257 = arith.mulf %parallel_loop3A_256, %parallel_loop3A_252 : vector<16xf32>
        %parallel_loop3A_258 = arith.constant 1.500000e+00 : f32
        %parallel_loop3A_259 = vector.broadcast %parallel_loop3A_258 : f32 to vector<16xf32>
        %parallel_loop3A_260 = arith.subf %parallel_loop3A_259, %parallel_loop3A_257 : vector<16xf32>
        %parallel_loop3A_261 = arith.mulf %parallel_loop3A_252, %parallel_loop3A_260 : vector<16xf32>
        %parallel_loop3A_262 = arith.mulf %parallel_loop3A_255, %parallel_loop3A_261 : vector<16xf32>
        %parallel_loop3A_263 = arith.mulf %parallel_loop3A_262, %parallel_loop3A_261 : vector<16xf32>
        %parallel_loop3A_264 = arith.constant 1.500000e+00 : f32
        %parallel_loop3A_265 = vector.broadcast %parallel_loop3A_264 : f32 to vector<16xf32>
        %parallel_loop3A_266 = arith.subf %parallel_loop3A_265, %parallel_loop3A_263 : vector<16xf32>
        %parallel_loop3A_267 = arith.mulf %parallel_loop3A_261, %parallel_loop3A_266 : vector<16xf32>
        %parallel_loop3A_268 = arith.subf %parallel_loop3A_134, %parallel_loop3A_238 : vector<16xf32>
        %parallel_loop3A_269 = arith.mulf %parallel_loop3A_268, %parallel_loop3A_267 : vector<16xf32>
        %parallel_loop3A_270 = arith.mulf %parallel_loop3A_269, %get3A_3 : vector<16xf32>
        %parallel_loop3A_271 = arith.addf %parallel_loop3A_270, %get3A_19 : vector<16xf32>
        %parallel_loop3A_272 = arith.subf %parallel_loop3A_141, %parallel_loop3A_238 : vector<16xf32>
        %parallel_loop3A_273 = arith.mulf %parallel_loop3A_272, %parallel_loop3A_267 : vector<16xf32>
        %parallel_loop3A_274 = arith.mulf %parallel_loop3A_273, %get3A_5 : vector<16xf32>
        %parallel_loop3A_275 = arith.addf %parallel_loop3A_274, %get3A_21 : vector<16xf32>
        %parallel_loop3A_276 = arith.subf %parallel_loop3A_148, %parallel_loop3A_238 : vector<16xf32>
        %parallel_loop3A_277 = arith.mulf %parallel_loop3A_276, %parallel_loop3A_267 : vector<16xf32>
        %parallel_loop3A_278 = arith.mulf %parallel_loop3A_277, %get3A_7 : vector<16xf32>
        %parallel_loop3A_279 = arith.addf %parallel_loop3A_278, %get3A_23 : vector<16xf32>
        %parallel_loop3A_280 = arith.subf %parallel_loop3A_155, %parallel_loop3A_238 : vector<16xf32>
        %parallel_loop3A_281 = arith.mulf %parallel_loop3A_280, %parallel_loop3A_267 : vector<16xf32>
        %parallel_loop3A_282 = arith.mulf %parallel_loop3A_281, %get3A_9 : vector<16xf32>
        %parallel_loop3A_283 = arith.addf %parallel_loop3A_282, %get3A_25 : vector<16xf32>
        %parallel_loop3A_284 = arith.subf %parallel_loop3A_162, %parallel_loop3A_238 : vector<16xf32>
        %parallel_loop3A_285 = arith.mulf %parallel_loop3A_284, %parallel_loop3A_267 : vector<16xf32>
        %parallel_loop3A_286 = arith.mulf %parallel_loop3A_285, %get3A_11 : vector<16xf32>
        %parallel_loop3A_287 = arith.addf %parallel_loop3A_286, %get3A_27 : vector<16xf32>
        %parallel_loop3A_288 = arith.subf %parallel_loop3A_169, %parallel_loop3A_238 : vector<16xf32>
        %parallel_loop3A_289 = arith.mulf %parallel_loop3A_288, %parallel_loop3A_267 : vector<16xf32>
        %parallel_loop3A_290 = arith.mulf %parallel_loop3A_289, %get3A_13 : vector<16xf32>
        %parallel_loop3A_291 = arith.addf %parallel_loop3A_290, %get3A_29 : vector<16xf32>
        %parallel_loop3A_292 = arith.subf %parallel_loop3A_176, %parallel_loop3A_238 : vector<16xf32>
        %parallel_loop3A_293 = arith.mulf %parallel_loop3A_292, %parallel_loop3A_267 : vector<16xf32>
        %parallel_loop3A_294 = arith.mulf %parallel_loop3A_293, %get3A_15 : vector<16xf32>
        %parallel_loop3A_295 = arith.addf %parallel_loop3A_294, %get3A_31 : vector<16xf32>
        %parallel_loop3A_296 = arith.subf %parallel_loop3A_183, %parallel_loop3A_238 : vector<16xf32>
        %parallel_loop3A_297 = arith.mulf %parallel_loop3A_296, %parallel_loop3A_267 : vector<16xf32>
        %parallel_loop3A_298 = arith.mulf %parallel_loop3A_297, %get3A_17 : vector<16xf32>
        %parallel_loop3A_299 = arith.addf %parallel_loop3A_298, %get3A_33 : vector<16xf32>
        %parallel_loop3A_300 = arith.index_cast %parallel_loop3A_122 : i32 to index
        %parallel_loop3A_301 = arith.constant 0 : index
        %parallel_loop3A_302 = tpu.vector_load %arg15[%parallel_loop3A_300, %parallel_loop3A_301] {strides = array<i32>} : memref<128x128xf32, #tpu.memory_space<vmem>>, vector<16xf32>,
        tpu.vector_store %arg15[%parallel_loop3A_300, %parallel_loop3A_301], %parallel_loop3A_271 {strides = array<i32>} : memref<128x128xf32, #tpu.memory_space<vmem>>, vector<16xf32>,
        %parallel_loop3A_303 = arith.index_cast %parallel_loop3A_122 : i32 to index
        %parallel_loop3A_304 = arith.constant 16 : index
        %parallel_loop3A_305 = tpu.vector_load %arg15[%parallel_loop3A_303, %parallel_loop3A_304] {strides = array<i32>} : memref<128x128xf32, #tpu.memory_space<vmem>>, vector<16xf32>,
        tpu.vector_store %arg15[%parallel_loop3A_303, %parallel_loop3A_304], %parallel_loop3A_275 {strides = array<i32>} : memref<128x128xf32, #tpu.memory_space<vmem>>, vector<16xf32>,
        %parallel_loop3A_306 = arith.index_cast %parallel_loop3A_122 : i32 to index
        %parallel_loop3A_307 = arith.constant 32 : index
        %parallel_loop3A_308 = tpu.vector_load %arg15[%parallel_loop3A_306, %parallel_loop3A_307] {strides = array<i32>} : memref<128x128xf32, #tpu.memory_space<vmem>>, vector<16xf32>,
        tpu.vector_store %arg15[%parallel_loop3A_306, %parallel_loop3A_307], %parallel_loop3A_279 {strides = array<i32>} : memref<128x128xf32, #tpu.memory_space<vmem>>, vector<16xf32>,
        %parallel_loop3A_309 = arith.index_cast %parallel_loop3A_122 : i32 to index
        %parallel_loop3A_310 = arith.constant 48 : index
        %parallel_loop3A_311 = tpu.vector_load %arg15[%parallel_loop3A_309, %parallel_loop3A_310] {strides = array<i32>} : memref<128x128xf32, #tpu.memory_space<vmem>>, vector<16xf32>,
        tpu.vector_store %arg15[%parallel_loop3A_309, %parallel_loop3A_310], %parallel_loop3A_283 {strides = array<i32>} : memref<128x128xf32, #tpu.memory_space<vmem>>, vector<16xf32>,
        %parallel_loop3A_312 = arith.index_cast %parallel_loop3A_122 : i32 to index
        %parallel_loop3A_313 = arith.constant 64 : index
        %parallel_loop3A_314 = tpu.vector_load %arg15[%parallel_loop3A_312, %parallel_loop3A_313] {strides = array<i32>} : memref<128x128xf32, #tpu.memory_space<vmem>>, vector<16xf32>,
        tpu.vector_store %arg15[%parallel_loop3A_312, %parallel_loop3A_313], %parallel_loop3A_287 {strides = array<i32>} : memref<128x128xf32, #tpu.memory_space<vmem>>, vector<16xf32>,
        %parallel_loop3A_315 = arith.index_cast %parallel_loop3A_122 : i32 to index
        %parallel_loop3A_316 = arith.constant 80 : index
        %parallel_loop3A_317 = tpu.vector_load %arg15[%parallel_loop3A_315, %parallel_loop3A_316] {strides = array<i32>} : memref<128x128xf32, #tpu.memory_space<vmem>>, vector<16xf32>,
        tpu.vector_store %arg15[%parallel_loop3A_315, %parallel_loop3A_316], %parallel_loop3A_291 {strides = array<i32>} : memref<128x128xf32, #tpu.memory_space<vmem>>, vector<16xf32>,
        %parallel_loop3A_318 = arith.index_cast %parallel_loop3A_122 : i32 to index
        %parallel_loop3A_319 = arith.constant 96 : index
        %parallel_loop3A_320 = tpu.vector_load %arg15[%parallel_loop3A_318, %parallel_loop3A_319] {strides = array<i32>} : memref<128x128xf32, #tpu.memory_space<vmem>>, vector<16xf32>,
        tpu.vector_store %arg15[%parallel_loop3A_318, %parallel_loop3A_319], %parallel_loop3A_295 {strides = array<i32>} : memref<128x128xf32, #tpu.memory_space<vmem>>, vector<16xf32>,
        %parallel_loop3A_321 = arith.index_cast %parallel_loop3A_122 : i32 to index
        %parallel_loop3A_322 = arith.constant 112 : index
        %parallel_loop3A_323 = tpu.vector_load %arg15[%parallel_loop3A_321, %parallel_loop3A_322] {strides = array<i32>} : memref<128x128xf32, #tpu.memory_space<vmem>>, vector<16xf32>,
        tpu.vector_store %arg15[%parallel_loop3A_321, %parallel_loop3A_322], %parallel_loop3A_299 {strides = array<i32>} : memref<128x128xf32, #tpu.memory_space<vmem>>, vector<16xf32>,
      } {sc.loop_unroll_factor = 1 : i64, sc.parallel_access}
      %mul3A_108 = arith.constant 128 : i32
      %mul3A_109 = arith.muli %add3A_93, %mul3A_108 : i32
      %add3A_110 = arith.addi %mul3A_2, %mul3A_109 : i32
      %dma_start3A_111 = arith.constant 0 : i32
      %dma_start3A_112 = tpu.memref_slice %arg7[%add3A_110, %dma_start3A_111] : memref<204800x128xf32, #tpu.memory_space<hbm>> -> memref<128x128xf32, #tpu.memory_space<hbm>>
      %dma_start3A_113 = arith.constant 0 : i32
      %dma_start3A_114 = tpu.memref_slice %arg7[%add3A_110, %dma_start3A_113] : memref<204800x128xf32, #tpu.memory_space<hbm>> -> memref<128x128xf32, #tpu.memory_space<hbm>>
      tpu.enqueue_dma source(%arg15 : memref<128x128xf32, #tpu.memory_space<vmem>>) target(%dma_start3A_114 : memref<128x128xf32, #tpu.memory_space<hbm>>) target_semaphore(%arg20 : memref<!tpu.dma_semaphore, #tpu.memory_space<semaphore_mem>>)
      %add3A_115 = arith.constant 2 : i32
      %add3A_116 = arith.addi %add3A_93, %add3A_115 : i32
      %lt3A_117 = arith.constant 50 : i32
      %lt3A_118 = arith.cmpi slt, %add3A_116, %lt3A_117 : i32
      %convert_element_type3A_119 = arith.extui %lt3A_118 : i1 to i32
      %cond3A_120 = arith.constant 0 : i32
      %cond3A_121 = arith.cmpi ne, %convert_element_type3A_119, %cond3A_120 : i32
      scf.if %cond3A_121 {
        %add3A_122 = arith.constant 2 : i32
        %add3A_123 = arith.addi %add3A_93, %add3A_122 : i32
        %dma_start3A_124 = arith.constant 0 : i32
        %dma_start3A_125 = tpu.memref_slice %arg8[%add3A_123, %dma_start3A_124] : memref<50x128xi32, #tpu.memory_space<vmem>> -> memref<1x128xi32, #tpu.memory_space<vmem>>
        %dma_start3A_126 = tpu.memref_squeeze %dma_start3A_125 : memref<1x128xi32, #tpu.memory_space<vmem>> -> memref<128xi32, #tpu.memory_space<vmem>>
        %dma_start3A_127 = arith.constant 0 : i32
        %dma_start3A_128 = arith.constant 0 : i32
        %dma_start3A_129 = tpu.memref_slice %arg2[%dma_start3A_127, %dma_start3A_128] : memref<1000000x128xf32, #tpu.memory_space<hbm>> -> memref<1000000x128xf32, #tpu.memory_space<hbm>>
        tpu.enqueue_indirect_dma source(%dma_start3A_129 : memref<1000000x128xf32, #tpu.memory_space<hbm>>) target(%arg13 : memref<128x128xf32, #tpu.memory_space<vmem>>) offsets(%dma_start3A_126 : memref<128xi32, #tpu.memory_space<vmem>>) semaphore(%arg18 : memref<!tpu.dma_semaphore, #tpu.memory_space<semaphore_mem>>)
      } else {
      }
    }
    %scan3A_54 = arith.constant 25 : i32
    %dma_wait3A = arith.constant 0 : i32
    %dma_wait3A_55 = tpu.memref_slice %arg7[%mul3A_2, %dma_wait3A] : memref<204800x128xf32, #tpu.memory_space<hbm>> -> memref<128x128xf32, #tpu.memory_space<hbm>>
    %dma_wait3A_56 = arith.constant 0 : i32
    %dma_wait3A_57 = tpu.memref_slice %arg7[%mul3A_2, %dma_wait3A_56] : memref<204800x128xf32, #tpu.memory_space<hbm>> -> memref<128x128xf32, #tpu.memory_space<hbm>>
    tpu.wait_dma2 semaphore(%arg19 : memref<!tpu.dma_semaphore, #tpu.memory_space<semaphore_mem>>) src(%arg14 : memref<128x128xf32, #tpu.memory_space<vmem>>) dst(%dma_wait3A_57 : memref<128x128xf32, #tpu.memory_space<hbm>>)
    %dma_wait3A_58 = arith.constant 0 : i32
    %dma_wait3A_59 = tpu.memref_slice %arg7[%mul3A_2, %dma_wait3A_58] : memref<204800x128xf32, #tpu.memory_space<hbm>> -> memref<128x128xf32, #tpu.memory_space<hbm>>
    %dma_wait3A_60 = arith.constant 0 : i32
    %dma_wait3A_61 = tpu.memref_slice %arg7[%mul3A_2, %dma_wait3A_60] : memref<204800x128xf32, #tpu.memory_space<hbm>> -> memref<128x128xf32, #tpu.memory_space<hbm>>
    tpu.wait_dma2 semaphore(%arg20 : memref<!tpu.dma_semaphore, #tpu.memory_space<semaphore_mem>>) src(%arg15 : memref<128x128xf32, #tpu.memory_space<vmem>>) dst(%dma_wait3A_61 : memref<128x128xf32, #tpu.memory_space<hbm>>)
    return
  }
}

</mosaic_0001>

<sc_bundles>
// kernel: kernel.3.cloned.1.call-start
scs
__scs_entry_jumppad:
0x0: {  	(pc) =	sbr.rel $0x88, $3  }
0x1: {  	(tag) =	ssettag $0x0;
	lr =	simm.s32 $0x1  }
0x2: {  	[smem:$0x3F9C] =	sst lr;
	_ =	strace $0xD0000000  }
0x3: {  	_ = 	snop  }
0x4: {  	_ = 	snop  }
0x5: {  	_ = 	snop  }
0x6: {  	_ = 	snop  }
0x7: {  	_ = 	snop  }
__scs_overlays_trampoline_lowered:
0x8: {  	[smem:$0x3FAB] =	sst s0  }
0x9: {  	[smem:$0x3FAC] =	sst s1  }
0xa: {  	[smem:$0x3FAD] =	sst s2  }
0xb: {  	[smem:$0x3FAE] =	sst s3  }
0xc: {  	[smem:$0x3FAF] =	sst s4  }
0xd: {  	[smem:$0x3FB0] =	sst s5  }
0xe: {  	[smem:$0x3FB1] =	sst s6  }
0xf: {  	[smem:$0x3FB2] =	sst s7  }
0x10: {  	[smem:$0x3FB3] =	sst s8  }
0x11: {  	[smem:$0x3FB4] =	sst s9;
	s0 =	simm.s32 @!p0 $0x0  }
0x12: {  	s1 =	sld [smem:$0x3F9A];
	s0 =	simm.s32 @p0 $0x1  }
0x13: {  	[smem:$0x3FB5] =	sst s0;
	s0 =	simm.s32 @!p1 $0x0  }
0x14: {  	s2 =	sld [smem:$0x3F99];
	s0 =	simm.s32 @p1 $0x1  }
0x15: {  	[smem:$0x3FB6] =	sst s0;
	s0 =	simm.s32 @!p2 $0x0  }
0x16: {  	s3 =	sld [smem:$0x3FDB];
	s0 =	simm.s32 @p2 $0x1  }
0x17: {  	s4 =	simm.s32 $0x1BF5;
	[smem:$0x3FB8] =	sst s0  }
0x18: {  	s0 =	sld [smem:$0x3F9B];
	_ =	swait.ge [sflag:s4], $0x0  }
0x19: {  	s7 =	sld [smem:$0x3F9C]  }
0x1a: {  	s8 =	sadd.s32 $0xFFFFE003, lr  }
0x1b: {  	s9 =	sadd.s32 $0xFFFFFEF7, lr;
	s5 =	simm.s32 $0xFFFFFFFF;
	p2 =	slt.u32 s8, $0xFFFFF086  }
0x1c: {  	p1 =	slt.u32 s9, $0xF7A;
	s5 =	simm.s32 @!p2 $0x0  }
0x1d: {  	s5 =	simm.s32 @p1 $0x1;
	p0 =	seq.s32 s7, s2  }
0x1e: {  	s7 =	smul.u32 @!p0 $0xF7A, s2;
	p2 =	seq.s32 @!p0 s5, $0x0  }
0x1f: {  	s9 =	smul.u32 $0xF7A, s1;
	s8 =	simm.s32 @!p0 $0x1BF5;
	p2 =	por !p2, p0  }
0x20: {  	[sflag:s8] =	ssyncset.s32 @!p0 $0xFFFFF086;
	s6 =	sadd.s32 @!p0 s3, s7;
	s7 =	simm.s32 @!p0 $0x108  }
0x21: {  	s3 =	sadd.s32 s3, s9;
	s6 =	sadd.s32 @!p0 $0x88, s6;
	s7 =	simm.s32 @p2 $0x1082  }
0x22: {  	[simem:s7], [sflag:s8] =	dma.local @!p0 [hbm:s6], $0xF7A  }
0x23: {  	s9 =	sor.u32 $0xD0000000, s2;
	s6 =	simm.s32 $0x108;
	_ =	swait.ge @!p0 [sflag:s8], $0x0  }
0x24: {  	s3 =	sadd.s32 $0x88, s3;
	s6 =	simm.s32 @!p1 $0x1082;
	[sflag:s4] =	ssyncset.s32 $0xFFFFF086  }
0x25: {  	[simem:s6], [sflag:s4] =	dma.local [hbm:s3], $0xF7A  }
0x26: {  	[smem:$0x3F9C] =	sst s1;
	(tag) =	ssettag s2;
	_ =	strace s9  }
0x27: {  	s1 =	sld [smem:$0x3FAC]  }
0x28: {  	s2 =	sld [smem:$0x3FAD]  }
0x29: {  	s4 =	sld [smem:$0x3FAF]  }
0x2a: {  	p0 =	seq.s32 s5, $0x0;
	s5 =	sld [smem:$0x3FB0]  }
0x2b: {  	s6 =	sld [smem:$0x3FB1]  }
0x2c: {  	s7 =	sld [smem:$0x3FB2]  }
0x2d: {  	s3 =	simm.s32 $0x108;
	s8 =	sld [smem:$0x3FB3]  }
0x2e: {  	s3 =	simm.s32 @!p0 $0x1082;
	s9 =	sld [smem:$0x3FB4]  }
0x2f: {  	lr =	sadd.s32 s0, s3;
	s0 =	sld [smem:$0x3FAB]  }
0x30: {  	s3 =	sld [smem:$0x3FAE]  }
0x31: {  	[smem:$0x3FB7] =	sst s10  }
0x32: {  	s10 =	sld [smem:$0x3FB5];
	_ =	sdelay $0x3  }
0x33: {  	p0 =	seq.s32 s10, $0x1;
	s10 =	sld [smem:$0x3FB7];
	_ =	sdelay $0x3  }
0x34: {  	[smem:$0x3FB7] =	sst s10  }
0x35: {  	s10 =	sld [smem:$0x3FB6];
	_ =	sdelay $0x3  }
0x36: {  	p1 =	seq.s32 s10, $0x1;
	s10 =	sld [smem:$0x3FB7];
	_ =	sdelay $0x3  }
0x37: {  	[smem:$0x3FB7] =	sst s10  }
0x38: {  	s10 =	sld [smem:$0x3FB8]  }
0x39: {  	_ = 	snop;
	(pc) =	sbr.ind lr, $3  }
0x3a: {  	_ = 	snop  }
0x3b: {  	_ = 	snop  }
0x3c: {  	p2 =	seq.s32 s10, $0x1;
	s10 =	sld [smem:$0x3FB7]  }
0x3d: {  	_ =	shalt  }
0x3e: {  	_ =	shalt  }
0x3f: {  	_ =	shalt  }
0x40: {  	_ =	shalt  }
0x41: {  	_ =	shalt  }
0x42: {  	_ =	shalt  }
0x43: {  	_ =	shalt  }
0x44: {  	_ =	shalt  }
0x45: {  	_ =	shalt  }
0x46: {  	_ =	shalt  }
0x47: {  	_ =	shalt  }
0x48: {  	_ =	shalt  }
0x49: {  	_ =	shalt  }
0x4a: {  	_ =	shalt  }
0x4b: {  	_ =	shalt  }
0x4c: {  	_ =	shalt  }
0x4d: {  	_ =	shalt  }
0x4e: {  	_ =	shalt  }
0x4f: {  	_ =	shalt  }
0x50: {  	_ =	shalt  }
0x51: {  	_ =	shalt  }
0x52: {  	_ =	shalt  }
0x53: {  	_ =	shalt  }
0x54: {  	_ =	shalt  }
0x55: {  	_ =	shalt  }
0x56: {  	_ =	shalt  }
0x57: {  	_ =	shalt  }
0x58: {  	_ =	shalt  }
0x59: {  	_ =	shalt  }
0x5a: {  	_ =	shalt  }
0x5b: {  	_ =	shalt  }
0x5c: {  	_ =	shalt  }
0x5d: {  	_ =	shalt  }
0x5e: {  	_ =	shalt  }
0x5f: {  	_ =	shalt  }
0x60: {  	_ =	shalt  }
0x61: {  	_ =	shalt  }
0x62: {  	_ =	shalt  }
0x63: {  	_ =	shalt  }
0x64: {  	_ =	shalt  }
0x65: {  	_ =	shalt  }
0x66: {  	_ =	shalt  }
0x67: {  	_ =	shalt  }
0x68: {  	_ =	shalt  }
0x69: {  	_ =	shalt  }
0x6a: {  	_ =	shalt  }
0x6b: {  	_ =	shalt  }
0x6c: {  	_ =	shalt  }
0x6d: {  	_ =	shalt  }
0x6e: {  	_ =	shalt  }
0x6f: {  	_ =	shalt  }
0x70: {  	_ =	shalt  }
0x71: {  	_ =	shalt  }
0x72: {  	_ =	shalt  }
0x73: {  	_ =	shalt  }
0x74: {  	_ =	shalt  }
0x75: {  	_ =	shalt  }
0x76: {  	_ =	shalt  }
0x77: {  	_ =	shalt  }
0x78: {  	_ =	shalt  }
0x79: {  	_ =	shalt  }
0x7a: {  	_ =	shalt  }
0x7b: {  	_ =	shalt  }
0x7c: {  	_ =	shalt  }
0x7d: {  	_ =	shalt  }
0x7e: {  	_ =	shalt  }
0x7f: {  	_ =	shalt  }
0x80: {  	_ =	shalt  }
0x81: {  	_ =	shalt  }
0x82: {  	_ =	shalt  }
0x83: {  	_ =	shalt  }
0x84: {  	_ =	shalt  }
0x85: {  	_ =	shalt  }
0x86: {  	_ =	shalt  }
0x87: {  	_ =	shalt  }
.Lfunc_end0:
.L_simem_size_0:
called_computation_lowered:
.L_overlay_start_0:
0x88: {  	s2 =	sld [smem:$0x3FD9]  }
0x89: {  	s3 =	sld [smem:$0x3FFE];
	_ =	sdelay $0x1  }
0x8a: {  	s1 =	srdreg.scid  }
0x8b: {  	s0 =	sand.u32 $0x1, s1  }
0x8c: {  	s17 =	sshll.u32 s0, $0xA;
	s2 =	sadd.s32 s3, s2  }
0x8d: {  	s2 =	sadd.s32 s2, s17  }
0x8e: {  	[smem:$0x3FC3] =	sst s2  }
0x8f: {  	_ = 	snop  }
0x90: {  	s2 =	sld [smem:$0x3FC8]  }
0x91: {  	s18 =	sld [smem:$0x3FC7]  }
0x92: {  	s4 =	sld [smem:$0x3FC6]  }
0x93: {  	s5 =	sld [smem:$0x3FC5]  }
0x94: {  	s6 =	sld [smem:$0x3FD0];
	(tm) =	ssettm $0x1  }
0x95: {  	s7 =	sld [smem:$0x3FFB];
	_ =	sdelay $0x3  }
0x96: {  	_ =	strace s7  }
0x97: {  	s7 =	sld [smem:$0x3FFC];
	_ =	sdelay $0x3  }
0x98: {  	_ =	strace s7  }
0x99: {  	s7 =	sld [smem:$0x3FFD];
	_ =	sdelay $0x3  }
0x9a: {  	_ =	strace s7  }
0x9b: {  	_ =	strace $0x8FFFFFFF  }
0x9c: {  	s19 =	sld [smem:$0x3FDB];
	_ =	sdelay $0x1  }
0x9d: {  	s8 =	simm.s32 $_scs_section_size  }
0x9e: {  	s9 =	simm.s32 $_size__tile_overlayer_lowered;
	s10 =	simm.s32 $_tile_overlayer_lowered  }
0x9f: {  	s22 =	simm.s32 $0x1BFF;
	s21 =	sshll.u32 s10, $0x1;
	s7 =	sadd.s32 s8, s19  }
0xa0: {  	s11 =	simm.s32 $0x0;
	s20 =	sshll.u32 s9, $0x1;
	s9 =	sadd.s32 s21, s7  }
0xa1: {  	[timem:s11], [sflag:s22] =	dma.local [hbm:s9], s20  }
0xa2: {  	_ =	swait.ge [sflag:s22], s20  }
0xa3: {  	s8 =	ssub.s32 $0x0, s20;
	[sflag:s22] =	ssyncset.done $0x0  }
0xa4: {  	[sflag:s22] =	ssyncadd.s32 s8;
	_ =	sdelay $0x1  }
0xa5: {  	s23 =	simm.s32 $0x1B8B  }
0xa6: {  	_ =	swait.ge [sflag:s23], $0x1  }
0xa7: {  	[sflag:s23] =	ssyncset.done $0x0  }
0xa8: {  	s25 =	simm.s32 $0x1B8E;
	s24 =	sld [smem:$0x3FFE];
	[sflag:s23] =	ssyncadd.s32 $0xFFFFFFFF  }
0xa9: {  	s26 =	simm.s32 $execute0_lowered;
	[smem:$0x3FD2] =	sst s25  }
0xaa: {  	s9 =	sshll.u32 s26, $0x1;
	_ =	strace $0x80000046;
	[dreg:$0x1] =	wrdreg $0xFFFFFFFF  }
0xab: {  	s28 =	simm.s32 $_size_execute0_lowered;
	s7 =	sadd.s32 s7, s9;
	[dreg:$0x0] =	wrdreg $0x0  }
0xac: {  	s9 =	sshll.u32 s28, $0x1;
	[dreg:$0x2] =	wrdreg s7  }
0xad: {  	[dreg:$0x3] =	wrdreg s9  }
0xae: {  	[dreg:$0x4] =	wrdreg $0xC0  }
0xaf: {  	_ =	task [dreg:s11], $0x5FFFF  }
0xb0: {  	[dreg:$0x1] =	wrdreg $0xFFFFFFFF  }
0xb1: {  	[dreg:$0x0] =	wrdreg $0x60  }
0xb2: {  	[dreg:$0x2] =	wrdreg s2  }
0xb3: {  	[dreg:$0x3] =	wrdreg s24  }
0xb4: {  	[dreg:$0x4] =	wrdreg s18  }
0xb5: {  	[dreg:$0x5] =	wrdreg s4  }
0xb6: {  	[dreg:$0x6] =	wrdreg s5  }
0xb7: {  	[dreg:$0x7] =	wrdreg s6  }
0xb8: {  	[dreg:$0x8] =	wrdreg $0x9  }
0xb9: {  	_ =	task.clear_ibuf [dreg:s11], $0x9FFFF;
	_ =	strace $0x90000046  }
0xba: {  	s29 =	simm.s32 $0x9;
	_ =	strace $0x80000048  }
0xbb: {  	_ =	swait.ge [sflag:s29], $0x1  }
0xbc: {  	[sflag:s29] =	ssyncadd.s32 $0xFFFFFFFF  }
0xbd: {  	_ =	strace $0x90000048  }
0xbe: {  	_ =	sfence  }
0xbf: {  	s30 =	sld [smem:$0x0];
	_ =	sdelay $0x2  }
0xc0: {  	s31 =	sshll.u32 s1, $0xD;
	s1 =	sshrl.u32 s1, $0x2  }
0xc1: {  	s3 =	sand.u32 $0x4000, s31;
	s1 =	sadd.s32 s1, s30  }
0xc2: {  	s0 =	sor.u32 s3, s0;
	s1 =	sshll.u32 s1, $0x11  }
0xc3: {  	s0 =	sor.u32 s1, s0  }
0xc4: {  	s0 =	sadd.s32 $0x8F2B, s0  }
0xc5: {  	[sflag:s0] =	ssyncadd.remote.s32 $0x1  }
0xc6: {  	_ =	sfence.sel $0xFFFF  }
0xc7: {  	[dreg:$0x0] =	wrdreg $0xFFFFFFFF;
	(pc) =	sbr.abs _section_cstart, $3  }
0xc8: {  	[dreg:$0x1] =	wrdreg $0xFFFFFFFF  }
0xc9: {  	_ =	task.clear_ibuf [dreg:s11], $0x2FFFF;
	_ =	strace $0x9FFFFFFF  }
0xca: {  	(tm) =	ssettm $0x7FFFFFFF  }
0xcb: {  	_ =	shalt  }
tec
execute0_lowered:
.L_overlay_start_1:
0x0: {  	(tag) =	ssettag $0x1  }
0x1: {  	s1 =	rddreg [dreg:$0x0]  }
0x2: {  	s0 =	rddreg [dreg:$0x1];
	s2 =	srdreg.scid  }
0x3: {  	s3 =	stileid.u32;
	s6 =	rddreg [dreg:$0x5];
	s7 =	simm.s32 $0x0  }
0x4: {  	s11 =	simm.s32 $0x5;
	s15 =	simm.s32 $0xC100;
	s16 =	simm.s32 $0x1  }
0x5: {  	s17 =	simm.s32 $0x10100;
	s18 =	simm.s32 $0x2;
	s19 =	simm.s32 $0x14100  }
0x6: {  	s20 =	simm.s32 $0x3;
	s2 =	sand.u32 $0x1, s2;
	s3 =	sshll.u32 s3, $0x1  }
.Ltmp0:
0x7: {  	s21 =	simm.s32 $0x4;
	s3 =	sor.u32 s2, s3;
	(pc) =	sbr.rel .LBB2_1-.Ltmp0, $4  }
0x8: {  	s22 =	simm.s32 $0x80;
	s2 =	ssub.s32 $0x2, s2;
	s4 =	smul.u32 $0x380, s3  }
0x9: {  	s23 =	simm.s32 $0x0;
	[smem:$0x7FF] =	sst s7;
	s31 =	sshrl.u32 s2, $0x1  }
0xa: {  	_ =	strace $0x80000047;
	s2 =	ssub.s32 s2, s31;
	s0 =	sadd.s32 s4, s0  }
0xb: {  	v0 =	vimm.s32 $0xF;
	s9 =	smul.u32 $0xC8000, s3;
	s10 =	smax.u32 s2, $0x1;
	s8 =	sadd.s32 $0x400, s0  }
.LBB2_8:
0xc: {  	s23 =	sadd.s32 $0x1, s23  }
0xd: {  	_ =	swait.ge [sflag:s20], $0x4000;
	p0 =	sne.s32 s23, s10  }
.Ltmp1:
0xe: {  	[sflag:s20] =	ssyncset.done $0x0;
	(pc) =	sbr.rel @!p0 .LBB2_9-.Ltmp1, $4  }
0xf: {  	[sflag:s20] =	ssyncadd.s32 $0xFFFFC000  }
0x10: {  	_ =	swait.ge [sflag:s21], $0x4000  }
0x11: {  	[sflag:s21] =	ssyncset.done $0x0  }
0x12: {  	[sflag:s21] =	ssyncadd.s32 $0xFFFFC000  }
.LBB2_1:
0x13: {  	[tilespmem:s7], [sflag:$0x5] =	stream.linear.gather [hbm4b:s8+s7], $0x1900, $0x38;
	[tilespmem:$0x1C100] =	vst v63  }
0x14: {  	_ =	swait.ge [sflag:s11], $0x1900  }
0x15: {  	[sflag:s11] =	ssyncset.done $0x0  }
0x16: {  	[sflag:s11] =	ssyncadd.s32 $0xFFFFE700  }
0x17: {  	s24 =	simm.s32 $0x1C00;
	s0 =	rddreg [dreg:$0x2]  }
0x18: {  	[tilespmem:s24], [sflag:$0x5] =	stream.linear.gather [hbm4b:s0+s7], $0x6400, $0x38;
	[tilespmem:$0x1C100] =	vst v63  }
0x19: {  	_ =	swait.ge [sflag:s11], $0x6400  }
0x1a: {  	[sflag:s11] =	ssyncset.done $0x0  }
0x1b: {  	[sflag:s11] =	ssyncadd.s32 $0xFFFF9C00  }
0x1c: {  	s2 =	simm.s32 $0x8000;
	s25 =	rddreg [dreg:$0x3]  }
0x1d: {  	[tilespmem:s2], [sflag:$0x5] =	stream.linear.gather [hbm4b:s25+s7], $0x80, $0x38;
	[tilespmem:$0x1C100] =	vst v63  }
0x1e: {  	_ =	swait.ge [sflag:s11], $0x80  }
0x1f: {  	[sflag:s11] =	ssyncset.done $0x0  }
0x20: {  	[sflag:s11] =	ssyncadd.s32 $0xFFFFFF80  }
0x21: {  	s30 =	simm.s32 $0x8080;
	s26 =	rddreg [dreg:$0x4]  }
0x22: {  	[tilespmem:s30], [sflag:$0x5] =	stream.linear.gather [hbm4b:s26+s7], $0x80, $0x38;
	[tilespmem:$0x1C100] =	vst v63  }
0x23: {  	_ =	swait.ge [sflag:s11], $0x80  }
0x24: {  	[sflag:s11] =	ssyncset.done $0x0  }
0x25: {  	[sflag:s11] =	ssyncadd.s32 $0xFFFFFF80  }
0x26: {  	v1 =	vld [tilespmem:$0x8000]  }
0x27: {  	v2 =	vld [tilespmem:$0x8010]  }
0x28: {  	v3 =	vld [tilespmem:$0x8020]  }
0x29: {  	v4 =	vld [tilespmem:$0x8030]  }
0x2a: {  	v5 =	vld [tilespmem:$0x8040]  }
0x2b: {  	v6 =	vld [tilespmem:$0x8050]  }
0x2c: {  	v7 =	vld [tilespmem:$0x8060]  }
0x2d: {  	v8 =	vld [tilespmem:$0x8070]  }
0x2e: {  	v9 =	vld [tilespmem:$0x8080]  }
0x2f: {  	v10 =	vld [tilespmem:$0x8090]  }
0x30: {  	v11 =	vld [tilespmem:$0x80A0]  }
0x31: {  	v12 =	vld [tilespmem:$0x80B0]  }
0x32: {  	v13 =	vld [tilespmem:$0x80C0]  }
0x33: {  	v14 =	vld [tilespmem:$0x80D0]  }
0x34: {  	s31 =	simm.s32 $0x8100;
	s28 =	simm.s32 $0x0;
	v15 =	vld [tilespmem:$0x80E0]  }
0x35: {  	v16 =	vld [tilespmem:$0x80F0];
	[tilespmem:s31], [sflag:$0x1] =	stream.indirect.gather [hbm4b:s1+s22], $0x80, s7, s22, $0xb8  }
0x36: {  	s29 =	simm.s32 $0x0;
	s25 =	simm.s32 $0x5C00;
	s26 =	simm.s32 $0x80  }
0x37: {  	[tilespmem:s15], [sflag:$0x2] =	stream.indirect.gather [hbm4b:s1+s22], $0x80, s22, s22, $0xb8;
	[tilespmem:$0x1C100] =	vst v63  }
.LBB2_2:
0x38: {  	_ =	swait.ge [sflag:s16], $0x4000  }
0x39: {  	p0 =	seq.s32 s29, $0x0;
	[sflag:s16] =	ssyncset.done $0x0  }
0x3a: {  	s0 =	simm.s32 @!p0 $0x3;
	[sflag:s16] =	ssyncadd.s32 $0xFFFFC000  }
0x3b: {  	_ =	swait.ge @!p0 [sflag:s0], $0x4000  }
0x3c: {  	[sflag:s0] =	ssyncset.done @!p0 $0x0  }
0x3d: {  	s4 =	simm.s32 $0x0;
	[sflag:s0] =	ssyncadd.s32 @!p0 $0xFFFFC000  }
0x3e: {  	v17 =	vld [tilespmem:s4+$0x8100]  }
0x3f: {  	s2 =	smulhi.u32 $0x51EB851F, s28;
	v18 =	vld [tilespmem:s4+$0x8110]  }
0x40: {  	v19 =	vld [tilespmem:s4+$0x8120]  }
0x41: {  	s12 =	sshrl.u32 s2, $0x6;
	v20 =	vld [tilespmem:s4+$0x8130]  }
0x42: {  	s0 =	smul.u32 $0xFFFE7000, s12;
	v21 =	vld [tilespmem:s4+$0x8140]  }
0x43: {  	v27 =	vld [tilespmem:s4+$0x8150]  }
0x44: {  	s31 =	simm.s32 $0x80;
	v29 =	vld [tilespmem:s4+$0x8160];
	s0 =	sshra.s32 s0, $0x2  }
0x45: {  	v31 =	vld [tilespmem:s31+$0x8100];
	s0 =	sadd.s32 s0, s24  }
0x46: {  	v22 =	vld [tilespmem:s0+$0x0]  }
0x47: {  	v23 =	vld [tilespmem:s0+$0x10]  }
0x48: {  	v24 =	vld [tilespmem:s0+$0x20]  }
0x49: {  	v25 =	vld [tilespmem:s0+$0x30]  }
0x4a: {  	v26 =	vld [tilespmem:s0+$0x40]  }
0x4b: {  	v28 =	vld [tilespmem:s0+$0x50]  }
0x4c: {  	v30 =	vadd.f32 v22, v17;
	v17 =	vld [tilespmem:s4+$0x8170]  }
0x4d: {  	v18 =	vadd.f32 v23, v18;
	v22 =	vld [tilespmem:s0+$0x60]  }
0x4e: {  	v19 =	vadd.f32 v24, v19;
	v24 =	vld [tilespmem:s0+$0x70];
	v23 =	vmul.f32 v30, v30  }
0x4f: {  	v32 =	vld [tilespmem:s31+$0x8110];
	v20 =	vadd.f32 v25, v20;
	v25 =	vmul.f32 v18, v18  }
0x50: {  	v34 =	vld [tilespmem:s31+$0x8140];
	v21 =	vadd.f32 v26, v21;
	v26 =	vmul.f32 v19, v19;
	[tilespmem:s4+$0x18100] =	vst v23  }
0x51: {  	v23 =	vadd.f32 v28, v27;
	v27 =	vmul.f32 v20, v20;
	[tilespmem:s4+$0x18100] =	vst.add.f32.msk $0xffff, v25  }
0x52: {  	v25 =	vmul.f32 v21, v21;
	v33 =	vadd.f32 v22, v29;
	[tilespmem:s4+$0x18100] =	vst.add.f32.msk $0xffff, v26  }
0x53: {  	s3 =	sadd.s32 $0x1, s28;
	v22 =	vadd.f32 v24, v17;
	v26 =	vmul.f32 v23, v23;
	[tilespmem:s4+$0x18100] =	vst.add.f32.msk $0xffff, v27  }
0x54: {  	s13 =	smulhi.u32 $0x51EB851F, s3;
	v27 =	vmul.f32 v33, v33;
	[tilespmem:s4+$0x18100] =	vst.add.f32.msk $0xffff, v25  }
0x55: {  	v17 =	vadd.f32 v18, v30;
	v24 =	vadd.f32 v20, v19;
	v28 =	vmul.f32 v22, v22;
	[tilespmem:s4+$0x18100] =	vst.add.f32.msk $0xffff, v26  }
0x56: {  	s0 =	sshrl.u32 s13, $0x6;
	v25 =	vadd.f32 v23, v21;
	v26 =	vadd.f32 v22, v33;
	[tilespmem:s4+$0x18100] =	vst.add.f32.msk $0xffff, v27  }
0x57: {  	s0 =	smul.u32 $0xFFFE7000, s0;
	[tilespmem:s4+$0x18100] =	vst.add.f32.msk $0xffff, v28  }
0x58: {  	v17 =	vadd.f32 v24, v17;
	v24 =	vadd.f32 v26, v25;
	v25 =	vld [tilespmem:s4+$0x18100]  }
0x59: {  	s14 =	sadd.s32 $0x80, s24;
	v37 =	vld [tilespmem:s31+$0x8150];
	s0 =	sshra.s32 s0, $0x2  }
0x5a: {  	v39 =	vld [tilespmem:s31+$0x8160];
	s0 =	sadd.s32 s0, s14;
	v17 =	vadd.f32 v24, v17  }
0x5b: {  	v35 =	vld [tilespmem:s0+$0x30]  }
0x5c: {  	v36 =	vld [tilespmem:s0+$0x40];
	(xrf2) =	vadd.scan.msk.f32 $0xffff, v17  }
0x5d: {  	v27 =	vld [tilespmem:s0+$0x10];
	(xrf2) =	vadd.scan.msk.f32 $0xffff, v25  }
0x5e: {  	v26 =	vld [tilespmem:s31+$0x8120]  }
0x5f: {  	s3 =	sadd.s32 $0x1, s3;
	v17 =	vld [tilespmem:s0+$0x0]  }
0x60: {  	s5 =	smulhi.u32 $0x51EB851F, s3;
	v25 =	vld [tilespmem:s0+$0x20]  }
0x61: {  	v24 =	vld [tilespmem:s31+$0x8130]  }
0x62: {  	s5 =	sshrl.u32 s5, $0x6;
	v38 =	vld [tilespmem:s0+$0x50]  }
0x63: {  	s5 =	smul.u32 $0xFFFE7000, s5;
	v51 =	vld [tilespmem:s0+$0x70]  }
0x64: {  	v34 =	vadd.f32 v36, v34;
	v28 =	vadd.f32 v17, v31;
	v17 =	vld [tilespmem:s31+$0x8170]  }
0x65: {  	s12 =	sshra.s32 s5, $0x2;
	s13 =	sadd.s32 $0x80, s14;
	v27 =	vadd.f32 v27, v32;
	v29 =	vadd.f32 v25, v26;
	v25 =	vld [tilespmem:s0+$0x60]  }
0x66: {  	s2 =	sadd.s32 s12, s13;
	v54 =	vmul.f32 v34, v34;
	v31 =	vadd.f32 v35, v24;
	v24 =	vmul.f32 v28, v28;
	v26, _, _ =	vpop (xrf2)  }
0x67: {  	v44 =	vld [tilespmem:s2+$0x10];
	v52 =	vmul.f32 v27, v27;
	v26 =	vperm.xlane v26, v0;
	v53, _, _ =	vpop (xrf2)  }
0x68: {  	v45 =	vld [tilespmem:s2+$0x30];
	v35 =	vadd.f32 v38, v37;
	v40 =	vmul.f32 v29, v29;
	[tilespmem:s31+$0x18100] =	vst v24;
	v24 =	vperm.xlane v53, v0  }
0x69: {  	[tilespmem:s31+$0x18100] =	vst.add.f32.msk $0xffff, v52;
	v43 =	vmul.f32 $7.812500000e-03, v26;
	v26 =	vmul.f32 v31, v31  }
0x6a: {  	v38 =	vmul.f32 v35, v35;
	v17 =	vadd.f32 v51, v17;
	[tilespmem:s31+$0x18100] =	vst.add.f32.msk $0xffff, v40;
	v36 =	vadd.f32 v25, v39  }
0x6b: {  	v55 =	vadd.f32 v31, v29;
	v24 =	vmul.f32 $7.812500000e-03, v24;
	v25 =	vmul.f32 v43, v43;
	[tilespmem:s31+$0x18100] =	vst.add.f32.msk $0xffff, v26  }
0x6c: {  	v39 =	vmul.f32 v36, v36;
	v56 =	vadd.f32 v17, v36;
	v26 =	vadd.f32 v27, v28;
	[tilespmem:s31+$0x18100] =	vst.add.f32.msk $0xffff, v54  }
0x6d: {  	v57 =	vmul.f32 v17, v17;
	v24 =	vsub.f32 v24, v25;
	v25 =	vadd.f32 v35, v34;
	[tilespmem:s31+$0x18100] =	vst.add.f32.msk $0xffff, v38  }
0x6e: {  	v26 =	vadd.f32 v55, v26;
	[tilespmem:s31+$0x18100] =	vst.add.f32.msk $0xffff, v39  }
0x6f: {  	v24 =	vadd.f32 $9.999999740e-06, v24;
	v25 =	vadd.f32 v56, v25;
	[tilespmem:s31+$0x18100] =	vst.add.f32.msk $0xffff, v57  }
0x70: {  	v58 =	vld [tilespmem:s31+$0x18100]  }
0x71: {  	v47 =	vld [tilespmem:s2+$0x40];
	s0 =	simm.s32 $0x100;
	v60 =	vshrl.u32 v24, $0x1;
	v24 =	vmul.f32 $5.000000000e-01, v24;
	v25 =	vadd.f32 v25, v26  }
0x72: {  	v41 =	vld [tilespmem:s0+$0x8100];
	v26 =	vsub.s32 $0x5F3759DF, v60  }
0x73: {  	v42 =	vld [tilespmem:s0+$0x8110];
	v62 =	vmul.f32 v26, v24;
	(xrf2) =	vadd.scan.msk.f32 $0xffff, v25  }
0x74: {  	v59 =	vld [tilespmem:s0+$0x8120]  }
0x75: {  	v61 =	vld [tilespmem:s0+$0x8130];
	v39 =	vmul.f32 v26, v62;
	(xrf2) =	vadd.scan.msk.f32 $0xffff, v58  }
0x76: {  	v63 =	vld [tilespmem:s0+$0x8140]  }
0x77: {  	v56 =	vld [tilespmem:s2+$0x20];
	v39 =	vsub.f32 $1.500000000e+00, v39  }
0x78: {  	v30 =	vsub.f32 v30, v43;
	v25 =	vld [tilespmem:s2+$0x0]  }
0x79: {  	v37 =	vld [tilespmem:s0+$0x8170];
	v46 =	vsub.f32 v18, v43;
	v48 =	vsub.f32 v19, v43;
	v39 =	vmul.f32 v26, v39  }
0x7a: {  	v52 =	vld [tilespmem:s2+$0x50];
	v50 =	vsub.f32 v21, v43;
	v19 =	vadd.f32 v44, v42  }
0x7b: {  	v51 =	vsub.f32 v23, v43;
	v23 =	vadd.f32 v47, v63;
	v26 =	vld [tilespmem:s0+$0x8150];
	v21 =	vmul.f32 v39, v24  }
0x7c: {  	v49 =	vsub.f32 v20, v43;
	v38 =	vld [tilespmem:s2+$0x60];
	v42 =	vmul.f32 v19, v19;
	v20 =	vadd.f32 v56, v59  }
0x7d: {  	v63 =	vmul.f32 v23, v23;
	v18 =	vadd.f32 v25, v41;
	v25 =	vld [tilespmem:s0+$0x8160];
	v24 =	vmul.f32 v21, v39;
	v57, _, _ =	vpop (xrf2)  }
0x7e: {  	v53 =	vsub.f32 v33, v43;
	v58 =	vld [tilespmem:s2+$0x70];
	s2 =	simm.s32 $0x180;
	v60 =	vmul.f32 v20, v20;
	v59 =	vperm.xlane v57, v0  }
0x7f: {  	v32 =	vld [tilespmem:s2+$0x8100];
	v41 =	vmul.f32 v18, v18;
	v21 =	vadd.f32 v45, v61;
	v61 =	vsub.f32 $1.500000000e+00, v24;
	v55, _, _ =	vpop (xrf2)  }
0x80: {  	v33 =	vld [tilespmem:s2+$0x8110];
	v24 =	vadd.f32 v52, v26;
	v62 =	vperm.xlane v55, v0;
	v26 =	vmul.f32 $7.812500000e-03, v59  }
0x81: {  	v22 =	vsub.f32 v22, v43;
	v40 =	vld [tilespmem:s2+$0x8130];
	[tilespmem:s0+$0x18100] =	vst v41;
	v54 =	vmul.f32 v21, v21;
	v39 =	vmul.f32 v61, v39  }
0x82: {  	s3 =	sadd.s32 $0x1, s3;
	[tilespmem:s0+$0x18100] =	vst.add.f32.msk $0xffff, v42;
	v25 =	vadd.f32 v38, v25;
	v45 =	vmul.f32 $7.812500000e-03, v62;
	v47 =	vmul.f32 v26, v26  }
0x83: {  	s14 =	smulhi.u32 $0x51EB851F, s3;
	[tilespmem:s0+$0x18100] =	vst.add.f32.msk $0xffff, v60;
	v56 =	vadd.f32 v21, v20;
	v43 =	vmul.f32 v39, v22;
	v22 =	vadd.f32 v58, v37  }
0x84: {  	v52 =	vmul.f32 v24, v24;
	[tilespmem:s0+$0x18100] =	vst.add.f32.msk $0xffff, v54;
	v54 =	vadd.f32 v19, v18;
	v38 =	vsub.f32 v45, v47  }
0x85: {  	s12 =	sshrl.u32 s14, $0x6;
	v55 =	vmul.f32 v25, v25;
	v57 =	vadd.f32 v24, v23;
	[tilespmem:s0+$0x18100] =	vst.add.f32.msk $0xffff, v63;
	v58 =	vadd.f32 v22, v25  }
0x86: {  	s12 =	smul.u32 $0xFFFE7000, s12;
	v28 =	vsub.f32 v28, v26;
	[tilespmem:s0+$0x18100] =	vst.add.f32.msk $0xffff, v52;
	v59 =	vmul.f32 v22, v22;
	v60 =	vadd.f32 $9.999999740e-06, v38  }
0x87: {  	[tilespmem:s0+$0x18100] =	vst.add.f32.msk $0xffff, v55;
	v47 =	vmul.f32 v39, v30;
	v30 =	vadd.f32 v56, v54;
	v61 =	vadd.f32 v58, v57  }
0x88: {  	s5 =	sadd.s32 $0x80, s13;
	s12 =	sshra.s32 s12, $0x2;
	v27 =	vsub.f32 v27, v26;
	[tilespmem:s0+$0x18100] =	vst.add.f32.msk $0xffff, v59;
	v62 =	vshrl.u32 v60, $0x1;
	v37 =	vmul.f32 $5.000000000e-01, v60  }
0x89: {  	s14 =	sadd.s32 s12, s5;
	v63 =	vmul.f32 v39, v46;
	v52 =	vld [tilespmem:s0+$0x18100];
	v42 =	vsub.s32 $0x5F3759DF, v62;
	v54 =	vadd.f32 v61, v30  }
0x8a: {  	v35 =	vsub.f32 v35, v26;
	v46 =	vmul.f32 v39, v48;
	v48 =	vld [tilespmem:s14+$0x0];
	v59 =	vmul.f32 v42, v37  }
0x8b: {  	v36 =	vsub.f32 v36, v26;
	v41 =	vmul.f32 v39, v53;
	v53 =	vld [tilespmem:s14+$0x40];
	v56 =	vmul.f32 v39, v50;
	(xrf2) =	vadd.scan.msk.f32 $0xffff, v54  }
0x8c: {  	v45 =	vld [tilespmem:s2+$0x8140];
	v43 =	vmul.f32 v43, v8;
	v30 =	vsub.f32 v29, v26;
	v60 =	vmul.f32 v42, v59  }
0x8d: {  	v50 =	vld [tilespmem:s14+$0x20];
	v63 =	vmul.f32 v63, v2;
	v29 =	vsub.f32 v31, v26;
	v31 =	vsub.f32 v34, v26  }
0x8e: {  	v38 =	vld [tilespmem:s2+$0x8120];
	v61 =	vmul.f32 v39, v49;
	v62 =	vmul.f32 v47, v1;
	(xrf2) =	vadd.scan.msk.f32 $0xffff, v52;
	v34 =	vsub.f32 $1.500000000e+00, v60  }
0x8f: {  	v46 =	vmul.f32 v46, v3;
	v43 =	vadd.f32 v43, v16;
	v57 =	vmul.f32 v39, v51;
	v49 =	vld [tilespmem:s14+$0x10]  }
0x90: {  	v51 =	vld [tilespmem:s14+$0x30];
	v39 =	vadd.f32 v62, v9;
	v47 =	vmul.f32 v61, v4;
	v44 =	vmul.f32 v42, v34  }
0x91: {  	s30 =	sshll.u32 s29, $0x1;
	s12 =	simm.s32 $0x800;
	[tilespmem:s4+$0x10170] =	vst v43;
	v43 =	vadd.f32 v63, v10;
	v52 =	vld [tilespmem:s2+$0x8150];
	v42 =	vmul.f32 v56, v5;
	v34 =	vmul.f32 v57, v6  }
.LBB2_3:
0x92: {  	p1 =	sne.s32 s12, $0xFE00;
	v54 =	vld [tilespmem:s14+$0x50];
	v37 =	vmul.f32 v44, v37;
	v46 =	vadd.f32 v46, v11;
	v41 =	vmul.f32 v41, v7;
	[tilespmem:s4+$0x10100] =	vst v39  }
0x93: {  	v39 =	vadd.f32 v48, v32;
	v32 =	vadd.f32 v47, v12;
	v47 =	vmovc v36;
	v48 =	vld [tilespmem:s2+$0x8160];
	[tilespmem:s4+$0x10110] =	vst v43;
	v43 =	vmov v35  }
0x94: {  	v35 =	vadd.f32 v49, v33;
	v36 =	vadd.f32 v50, v38;
	v38 =	vld [tilespmem:s2+$0x8170];
	v33 =	vmul.f32 v37, v44;
	[tilespmem:s4+$0x10120] =	vst v46  }
0x95: {  	v46 =	vadd.f32 v51, v40;
	v40 =	vmul.f32 v39, v39;
	v49 =	vadd.f32 v53, v45;
	v37 =	vld [tilespmem:s14+$0x60];
	v45, _, _ =	vpop (xrf2);
	[tilespmem:s4+$0x10130] =	vst v32  }
0x96: {  	v51 =	vmul.f32 v35, v35;
	v53 =	vmul.f32 v36, v36;
	v50 =	vld [tilespmem:s14+$0x70];
	v33 =	vsub.f32 $1.500000000e+00, v33  }
0x97: {  	s13 =	sshra.s32 s12, $0x2;
	v45 =	vperm.xlane v45, v0;
	v52 =	vadd.f32 v54, v52;
	v54 =	vmul.f32 v46, v46  }
0x98: {  	v57 =	vsub.f32 v17, v26;
	v55 =	vmul.f32 v49, v49;
	v32 =	vld [tilespmem:s13+$0x8100];
	v56, _, _ =	vpop (xrf2);
	v44 =	vmul.f32 v33, v44  }
0x99: {  	v17 =	vmovc v22;
	v42 =	vadd.f32 v42, v13;
	v26 =	vmul.f32 $7.812500000e-03, v45;
	v33 =	vld [tilespmem:s13+$0x8110];
	[tilespmem:s2+$0x18100] =	vst v40;
	v40 =	vperm.xlane v56, v0  }
0x9a: {  	v56 =	vadd.f32 v37, v48;
	v37 =	vmul.f32 v52, v52;
	[tilespmem:s2+$0x18100] =	vst.add.f32.msk $0xffff, v51;
	v45 =	vmul.f32 v44, v57  }
0x9b: {  	v22 =	vadd.f32 v50, v38;
	[tilespmem:s2+$0x18100] =	vst.add.f32.msk $0xffff, v53;
	v38 =	vmul.f32 $7.812500000e-03, v40;
	v40 =	vmul.f32 v26, v26  }
0x9c: {  	v48 =	vadd.f32 v35, v39;
	v50 =	vadd.f32 v46, v36;
	[tilespmem:s2+$0x18100] =	vst.add.f32.msk $0xffff, v54;
	v45 =	vmul.f32 v45, v8  }
0x9d: {  	s3 =	sadd.s32 $0x1, s3;
	v53 =	vadd.f32 v52, v49;
	v51 =	vmul.f32 v56, v56;
	[tilespmem:s2+$0x18100] =	vst.add.f32.msk $0xffff, v55;
	v38 =	vsub.f32 v38, v40  }
0x9e: {  	s14 =	smulhi.u32 $0x51EB851F, s3;
	v54 =	vmul.f32 v44, v28;
	[tilespmem:s2+$0x18100] =	vst.add.f32.msk $0xffff, v37;
	v37 =	vadd.f32 v22, v56;
	v40 =	vadd.f32 v45, v16  }
0x9f: {  	v28 =	vsub.f32 v18, v26;
	v18 =	vmovc v39;
	v45 =	vmul.f32 v22, v22;
	[tilespmem:s2+$0x18100] =	vst.add.f32.msk $0xffff, v51;
	v51 =	vadd.f32 $9.999999740e-06, v38  }
0xa0: {  	s14 =	sshrl.u32 s14, $0x6;
	v39 =	vadd.f32 v50, v48;
	v38 =	vld [tilespmem:s13+$0x8120];
	v48 =	vadd.f32 v37, v53;
	v53 =	vmul.f32 v44, v27;
	[tilespmem:s31+$0x10170] =	vst v40  }
0xa1: {  	s14 =	smul.u32 $0xFFFE7000, s14;
	v27 =	vsub.f32 v19, v26;
	v19 =	vmovc v35;
	[tilespmem:s2+$0x18100] =	vst.add.f32.msk $0xffff, v45;
	v40 =	vshrl.u32 v51, $0x1;
	v37 =	vmul.f32 $5.000000000e-01, v51  }
0xa2: {  	v57 =	vsub.f32 v20, v26;
	v20 =	vmovc v36;
	v35 =	vadd.f32 v48, v39;
	v39 =	vld [tilespmem:s2+$0x18100];
	v55 =	vsub.s32 $0x5F3759DF, v40;
	[tilespmem:s4+$0x10140] =	vst v42  }
0xa3: {  	s5 =	sadd.s32 $0x80, s5;
	v58 =	vsub.f32 v21, v26;
	v59 =	vsub.f32 v23, v26;
	v21 =	vmovc v46;
	s14 =	sshra.s32 s14, $0x2;
	v40 =	vld [tilespmem:s13+$0x8130];
	v42 =	vmul.f32 v55, v37  }
0xa4: {  	v30 =	vmul.f32 v44, v30;
	v36 =	vsub.f32 v25, v26;
	s14 =	sadd.s32 s14, s5;
	v45 =	vld [tilespmem:s13+$0x8140];
	(xrf2) =	vadd.scan.msk.f32 $0xffff, v35;
	v35 =	vsub.f32 v24, v26  }
0xa5: {  	v60 =	vadd.f32 v34, v14;
	v23 =	vmovc v49;
	v48 =	vld [tilespmem:s14+$0x0];
	v46 =	vmul.f32 v55, v42;
	v42 =	vmul.f32 v44, v29  }
.Ltmp2:
0xa6: {  	v31 =	vmul.f32 v44, v31;
	v34 =	vmul.f32 v44, v43;
	v43 =	vadd.f32 v41, v15;
	v24 =	vmovc v52;
	v49 =	vld [tilespmem:s14+$0x10];
	(pc) =	sbr.rel @p1 .LBB2_3-.Ltmp2, $4  }
0xa7: {  	v41 =	vmul.f32 v44, v47;
	v25 =	vmovc v56;
	v52 =	vmul.f32 v54, v1;
	v50 =	vld [tilespmem:s14+$0x20];
	(xrf2) =	vadd.scan.msk.f32 $0xffff, v39;
	v39 =	vsub.f32 $1.500000000e+00, v46  }
0xa8: {  	v54 =	vmul.f32 v53, v2;
	v29 =	vmovc v58;
	v46 =	vmul.f32 v30, v3;
	v30 =	vmov v57;
	v51 =	vld [tilespmem:s14+$0x30];
	[tilespmem:s4+$0x10150] =	vst v60  }
0xa9: {  	v47 =	vmul.f32 v42, v4;
	v53 =	vld [tilespmem:s14+$0x40];
	v44 =	vmul.f32 v55, v39;
	v39 =	vadd.f32 v52, v9;
	[tilespmem:s4+$0x10160] =	vst v43;
	s4 =	smov.u32 s31;
	s31 =	smov.u32 s0;
	s0 =	smov.u32 s2  }
0xaa: {  	s12 =	sadd.s32 $0x200, s12;
	v34 =	vmul.f32 v34, v6;
	v42 =	vmul.f32 v31, v5;
	v31 =	vmovc v59;
	v43 =	vadd.f32 v54, v10;
	s2 =	smov.u32 s13;
	v52 =	vld [tilespmem:s13+$0x8150]  }
0xab: {  	v54 =	vld [tilespmem:s14+$0x50]  }
0xac: {  	v55 =	vld [tilespmem:s2+$0x8160]  }
0xad: {  	v32 =	vadd.f32 v48, v32;
	v48 =	vld [tilespmem:s2+$0x8170]  }
0xae: {  	v33 =	vadd.f32 v49, v33;
	v60 =	vld [tilespmem:s14+$0x60]  }
0xaf: {  	v56 =	vld [tilespmem:s14+$0x70];
	v38 =	vadd.f32 v50, v38;
	v61 =	vmul.f32 v32, v32  }
0xb0: {  	v40 =	vadd.f32 v51, v40;
	v62 =	vmul.f32 v33, v33  }
0xb1: {  	v45 =	vadd.f32 v53, v45;
	v63 =	vmul.f32 v38, v38;
	[tilespmem:s2+$0x18100] =	vst v61  }
0xb2: {  	v57 =	vmul.f32 v40, v40;
	v50 =	vadd.f32 v54, v52;
	[tilespmem:s2+$0x18100] =	vst.add.f32.msk $0xffff, v62  }
0xb3: {  	v58 =	vmul.f32 v45, v45;
	v49 =	vadd.f32 v60, v55;
	[tilespmem:s2+$0x18100] =	vst.add.f32.msk $0xffff, v63  }
0xb4: {  	v48 =	vadd.f32 v56, v48;
	v59 =	vmul.f32 v50, v50;
	[tilespmem:s2+$0x18100] =	vst.add.f32.msk $0xffff, v57  }
0xb5: {  	v61 =	vadd.f32 v40, v38;
	v60 =	vadd.f32 v33, v32;
	v55 =	vmul.f32 v49, v49;
	[tilespmem:s2+$0x18100] =	vst.add.f32.msk $0xffff, v58  }
0xb6: {  	v62 =	vadd.f32 v50, v45;
	v63 =	vadd.f32 v48, v49;
	v56 =	vmul.f32 v48, v48;
	[tilespmem:s2+$0x18100] =	vst.add.f32.msk $0xffff, v59  }
0xb7: {  	[tilespmem:s2+$0x18100] =	vst.add.f32.msk $0xffff, v55  }
0xb8: {  	v52 =	vadd.f32 v61, v60;
	v51 =	vadd.f32 v63, v62;
	[tilespmem:s2+$0x18100] =	vst.add.f32.msk $0xffff, v56  }
0xb9: {  	v59 =	vld [tilespmem:s2+$0x18100]  }
0xba: {  	v51 =	vadd.f32 v51, v52;
	_ =	sdelay $0x1  }
0xbb: {  	v60, _, _ =	vpop (xrf2);
	(xrf2) =	vadd.scan.msk.f32 $0xffff, v51  }
0xbc: {  	v52 =	vperm.xlane v60, v0  }
0xbd: {  	v37 =	vmul.f32 v44, v37;
	v61, _, _ =	vpop (xrf2);
	(xrf2) =	vadd.scan.msk.f32 $0xffff, v59  }
0xbe: {  	v51 =	vperm.xlane v61, v0;
	v52 =	vmul.f32 $7.812500000e-03, v52  }
0xbf: {  	v37 =	vmul.f32 v37, v44  }
0xc0: {  	v51 =	vmul.f32 $7.812500000e-03, v51;
	v62 =	vmul.f32 v52, v52  }
0xc1: {  	v37 =	vsub.f32 $1.500000000e+00, v37  }
0xc2: {  	v51 =	vsub.f32 v51, v62  }
0xc3: {  	v17 =	vsub.f32 v17, v26;
	v37 =	vmul.f32 v37, v44  }
0xc4: {  	v41 =	vmul.f32 v41, v7;
	v51 =	vadd.f32 $9.999999740e-06, v51  }
0xc5: {  	v17 =	vmul.f32 v37, v17;
	v28 =	vmul.f32 v37, v28;
	v56, _, _ =	vpop (xrf2)  }
0xc6: {  	v26 =	vshrl.u32 v51, $0x1;
	v63 =	vmul.f32 $5.000000000e-01, v51;
	v51 =	vperm.xlane v56, v0  }
0xc7: {  	v46 =	vadd.f32 v46, v11;
	v27 =	vmul.f32 v37, v27;
	v30 =	vmul.f32 v37, v30;
	v58, _, _ =	vpop (xrf2)  }
0xc8: {  	v26 =	vsub.s32 $0x5F3759DF, v26;
	v51 =	vmul.f32 $7.812500000e-03, v51;
	v54 =	vperm.xlane v58, v0  }
0xc9: {  	v47 =	vadd.f32 v47, v12;
	v29 =	vmul.f32 v37, v29;
	v57 =	vmul.f32 v26, v63  }
0xca: {  	v42 =	vadd.f32 v42, v13;
	v59 =	vmul.f32 v51, v51;
	v54 =	vmul.f32 $7.812500000e-03, v54  }
0xcb: {  	v34 =	vadd.f32 v34, v14;
	v31 =	vmul.f32 v37, v31;
	v17 =	vmul.f32 v17, v8  }
0xcc: {  	v35 =	vmul.f32 v37, v35;
	v53 =	vmul.f32 v26, v57;
	v54 =	vsub.f32 v54, v59  }
0xcd: {  	v28 =	vmul.f32 v28, v1;
	v27 =	vmul.f32 v27, v2;
	v17 =	vadd.f32 v17, v16  }
0xce: {  	v36 =	vmul.f32 v37, v36;
	v53 =	vsub.f32 $1.500000000e+00, v53;
	v60 =	vadd.f32 $9.999999740e-06, v54  }
0xcf: {  	v30 =	vmul.f32 v30, v3;
	v28 =	vadd.f32 v28, v9;
	[tilespmem:s31+$0x10170] =	vst v17;
	v17 =	vadd.f32 v27, v10  }
0xd0: {  	v26 =	vmul.f32 v26, v53;
	v54 =	vshrl.u32 v60, $0x1;
	v53 =	vmul.f32 $5.000000000e-01, v60  }
0xd1: {  	v18 =	vsub.f32 v18, v52;
	v19 =	vsub.f32 v19, v52;
	v54 =	vsub.s32 $0x5F3759DF, v54  }
0xd2: {  	v20 =	vsub.f32 v20, v52;
	v44 =	vmul.f32 v26, v63;
	v61 =	vmul.f32 v54, v53  }
0xd3: {  	v29 =	vmul.f32 v29, v4;
	v21 =	vsub.f32 v21, v52;
	v23 =	vsub.f32 v23, v52  }
0xd4: {  	v24 =	vsub.f32 v24, v52;
	v44 =	vmul.f32 v44, v26;
	v63 =	vmul.f32 v54, v61  }
0xd5: {  	[tilespmem:s4+$0x10100] =	vst v39;
	v35 =	vmul.f32 v35, v6;
	v25 =	vsub.f32 v25, v52;
	v22 =	vsub.f32 v22, v52  }
0xd6: {  	[tilespmem:s4+$0x10110] =	vst v43;
	v27 =	vmul.f32 v31, v5;
	v44 =	vsub.f32 $1.500000000e+00, v44;
	v52 =	vsub.f32 $1.500000000e+00, v63  }
0xd7: {  	[tilespmem:s4+$0x10120] =	vst v46;
	v36 =	vmul.f32 v36, v7;
	v30 =	vadd.f32 v30, v11;
	v29 =	vadd.f32 v29, v12  }
0xd8: {  	[tilespmem:s4+$0x10130] =	vst v47;
	v27 =	vadd.f32 v27, v13;
	v26 =	vmul.f32 v44, v26;
	v31 =	vmul.f32 v54, v52  }
0xd9: {  	[tilespmem:s4+$0x10140] =	vst v42;
	v35 =	vadd.f32 v35, v14;
	v62 =	vadd.f32 v41, v15  }
0xda: {  	[tilespmem:s31+$0x10140] =	vst v27;
	v27 =	vadd.f32 v36, v15;
	v22 =	vmul.f32 v26, v22;
	v55 =	vmul.f32 v31, v53  }
0xdb: {  	[tilespmem:s31+$0x10100] =	vst v28;
	v32 =	vsub.f32 v32, v51;
	v28 =	vsub.f32 v33, v51  }
0xdc: {  	[tilespmem:s4+$0x10150] =	vst v34;
	v56 =	vsub.f32 v38, v51;
	v22 =	vmul.f32 v22, v8;
	v34 =	vmul.f32 v55, v31  }
0xdd: {  	[tilespmem:s31+$0x10120] =	vst v30;
	v57 =	vsub.f32 v45, v51;
	v30 =	vsub.f32 v50, v51  }
0xde: {  	[tilespmem:s31+$0x10110] =	vst v17;
	v17 =	vmul.f32 v26, v18;
	v22 =	vadd.f32 v22, v16;
	v34 =	vsub.f32 $1.500000000e+00, v34  }
0xdf: {  	[tilespmem:s31+$0x10130] =	vst v29;
	v29 =	vsub.f32 v49, v51;
	v19 =	vmul.f32 v26, v19;
	v20 =	vmul.f32 v26, v20  }
0xe0: {  	v17 =	vmul.f32 v17, v1;
	[tilespmem:s0+$0x10170] =	vst v22;
	v22 =	vmul.f32 v34, v31;
	v31 =	vsub.f32 v48, v51  }
0xe1: {  	[tilespmem:s31+$0x10150] =	vst v35;
	v18 =	vsub.f32 v40, v51;
	v21 =	vmul.f32 v26, v21;
	v19 =	vmul.f32 v19, v2  }
0xe2: {  	[tilespmem:s4+$0x10160] =	vst v62;
	v20 =	vmul.f32 v20, v3;
	v17 =	vadd.f32 v17, v9;
	v31 =	vmul.f32 v22, v31  }
0xe3: {  	[tilespmem:s31+$0x10160] =	vst v27;
	v23 =	vmul.f32 v26, v23;
	v21 =	vmul.f32 v21, v4;
	v19 =	vadd.f32 v19, v10  }
0xe4: {  	v24 =	vmul.f32 v26, v24;
	v20 =	vadd.f32 v20, v11;
	[tilespmem:s0+$0x10100] =	vst v17;
	v17 =	vmul.f32 v31, v8  }
0xe5: {  	v25 =	vmul.f32 v26, v25;
	v23 =	vmul.f32 v23, v5;
	v21 =	vadd.f32 v21, v12;
	[tilespmem:s0+$0x10110] =	vst v19  }
0xe6: {  	v19 =	vmul.f32 v24, v6;
	[tilespmem:s0+$0x10120] =	vst v20;
	v20 =	vmul.f32 v22, v32;
	v17 =	vadd.f32 v17, v16  }
0xe7: {  	v24 =	vmul.f32 v25, v7;
	[tilespmem:s0+$0x10130] =	vst v21;
	v21 =	vadd.f32 v23, v13;
	v23 =	vmul.f32 v22, v28  }
0xe8: {  	v19 =	vadd.f32 v19, v14;
	v20 =	vmul.f32 v20, v1;
	[tilespmem:s2+$0x10170] =	vst v17;
	v17 =	vmul.f32 v22, v56  }
0xe9: {  	[tilespmem:s0+$0x10140] =	vst v21;
	v21 =	vadd.f32 v24, v15;
	v18 =	vmul.f32 v22, v18;
	v23 =	vmul.f32 v23, v2  }
0xea: {  	[tilespmem:s0+$0x10150] =	vst v19;
	v24 =	vmul.f32 v22, v57;
	v19 =	vadd.f32 v20, v9;
	v17 =	vmul.f32 v17, v3  }
0xeb: {  	[tilespmem:s0+$0x10160] =	vst v21;
	v18 =	vmul.f32 v18, v4;
	v20 =	vmul.f32 v22, v30;
	v21 =	vadd.f32 v23, v10  }
0xec: {  	v23 =	vmul.f32 v24, v5;
	v22 =	vmul.f32 v22, v29;
	[tilespmem:s2+$0x10100] =	vst v19;
	v17 =	vadd.f32 v17, v11  }
0xed: {  	v18 =	vadd.f32 v18, v12;
	v19 =	vmul.f32 v20, v6;
	[tilespmem:s2+$0x10110] =	vst v21  }
0xee: {  	v20 =	vmul.f32 v22, v7;
	[tilespmem:s2+$0x10120] =	vst v17;
	v17 =	vadd.f32 v23, v13  }
0xef: {  	s14 =	sshll.u32 s29, $0xF;
	[tilespmem:s2+$0x10130] =	vst v18;
	v18 =	vadd.f32 v19, v14  }
0xf0: {  	s0 =	sadd.s32 s9, s14;
	[tilespmem:s2+$0x10140] =	vst v17;
	v17 =	vadd.f32 v20, v15  }
0xf1: {  	s0 =	sshrl.u32 s0, $0x3;
	[tilespmem:s2+$0x10150] =	vst v18  }
0xf2: {  	p1 =	seq.s32 s29, $0x18;
	s0 =	sadd.s32 s6, s0;
	[tilespmem:s2+$0x10160] =	vst v17  }
0xf3: {  	[hbm4b:s0+s7] =	stream.linear.scatter [tilespmem:s17], [sflag:$0x3], $0x4000, $0x38;
	[tilespmem:$0x1C100] =	vst v63  }
0xf4: {  	s0 =	sshll.u32 @!p1 s29, $0x8  }
0xf5: {  	s0 =	sand.u32 @!p1 $0x3FFFFF00, s0  }
0xf6: {  	s3 =	simm.s32 @!p1 $0x8100;
	s2 =	simm.s32 @!p1 $0x80;
	s0 =	sadd.s32 @!p1 $0x100, s0  }
0xf7: {  	[tilespmem:s3], [sflag:$0x1] =	stream.indirect.gather @!p1 [hbm4b:s1+s2], $0x80, s0, s2, $0xb8;
	[tilespmem:$0x1C100] =	vst v63  }
0xf8: {  	_ =	swait.ge [sflag:s18], $0x4000  }
0xf9: {  	[sflag:s18] =	ssyncset.done $0x0  }
0xfa: {  	s0 =	simm.s32 @!p0 $0x4;
	[sflag:s18] =	ssyncadd.s32 $0xFFFFC000  }
0xfb: {  	_ =	swait.ge @!p0 [sflag:s0], $0x4000  }
0xfc: {  	[sflag:s0] =	ssyncset.done @!p0 $0x0  }
0xfd: {  	s4 =	simm.s32 $0x0;
	[sflag:s0] =	ssyncadd.s32 @!p0 $0xFFFFC000  }
0xfe: {  	v17 =	vld [tilespmem:s4+$0xC100]  }
0xff: {  	s3 =	smulhi.u32 $0x51EB851F, s26;
	v18 =	vld [tilespmem:s4+$0xC110]  }
0x100: {  	v19 =	vld [tilespmem:s4+$0xC120]  }
0x101: {  	s5 =	sshrl.u32 s3, $0x6;
	v20 =	vld [tilespmem:s4+$0xC130]  }
0x102: {  	s0 =	smul.u32 $0xFFFE7000, s5;
	v21 =	vld [tilespmem:s4+$0xC140]  }
0x103: {  	v27 =	vld [tilespmem:s4+$0xC150]  }
0x104: {  	s31 =	simm.s32 $0x80;
	v29 =	vld [tilespmem:s4+$0xC160];
	s0 =	sshra.s32 s0, $0x2  }
0x105: {  	v31 =	vld [tilespmem:s31+$0xC100];
	s0 =	sadd.s32 s0, s25  }
0x106: {  	v22 =	vld [tilespmem:s0+$0x0]  }
0x107: {  	v23 =	vld [tilespmem:s0+$0x10]  }
0x108: {  	v24 =	vld [tilespmem:s0+$0x20]  }
0x109: {  	v25 =	vld [tilespmem:s0+$0x30]  }
0x10a: {  	v26 =	vld [tilespmem:s0+$0x40]  }
0x10b: {  	v28 =	vld [tilespmem:s0+$0x50]  }
0x10c: {  	v30 =	vadd.f32 v22, v17;
	v17 =	vld [tilespmem:s4+$0xC170]  }
0x10d: {  	v18 =	vadd.f32 v23, v18;
	v22 =	vld [tilespmem:s0+$0x60]  }
0x10e: {  	v19 =	vadd.f32 v24, v19;
	v24 =	vld [tilespmem:s0+$0x70];
	v23 =	vmul.f32 v30, v30  }
0x10f: {  	v58 =	vld [tilespmem:s31+$0xC110];
	v20 =	vadd.f32 v25, v20;
	v25 =	vmul.f32 v18, v18  }
0x110: {  	v59 =	vld [tilespmem:s31+$0xC140];
	v21 =	vadd.f32 v26, v21;
	v26 =	vmul.f32 v19, v19;
	[tilespmem:s4+$0x18100] =	vst v23  }
0x111: {  	v23 =	vadd.f32 v28, v27;
	v27 =	vmul.f32 v20, v20;
	[tilespmem:s4+$0x18100] =	vst.add.f32.msk $0xffff, v25  }
0x112: {  	v25 =	vmul.f32 v21, v21;
	v33 =	vadd.f32 v22, v29;
	[tilespmem:s4+$0x18100] =	vst.add.f32.msk $0xffff, v26  }
0x113: {  	s12 =	sadd.s32 $0x1, s26;
	v22 =	vadd.f32 v24, v17;
	v26 =	vmul.f32 v23, v23;
	[tilespmem:s4+$0x18100] =	vst.add.f32.msk $0xffff, v27  }
0x114: {  	s13 =	smulhi.u32 $0x51EB851F, s12;
	v27 =	vmul.f32 v33, v33;
	[tilespmem:s4+$0x18100] =	vst.add.f32.msk $0xffff, v25  }
0x115: {  	v17 =	vadd.f32 v18, v30;
	v24 =	vadd.f32 v20, v19;
	v28 =	vmul.f32 v22, v22;
	[tilespmem:s4+$0x18100] =	vst.add.f32.msk $0xffff, v26  }
0x116: {  	s0 =	sshrl.u32 s13, $0x6;
	v25 =	vadd.f32 v23, v21;
	v26 =	vadd.f32 v22, v33;
	[tilespmem:s4+$0x18100] =	vst.add.f32.msk $0xffff, v27  }
0x117: {  	s0 =	smul.u32 $0xFFFE7000, s0;
	[tilespmem:s4+$0x18100] =	vst.add.f32.msk $0xffff, v28  }
0x118: {  	v17 =	vadd.f32 v24, v17;
	v24 =	vadd.f32 v26, v25;
	v25 =	vld [tilespmem:s4+$0x18100]  }
0x119: {  	s14 =	sadd.s32 $0x80, s25;
	v62 =	vld [tilespmem:s31+$0xC150];
	s0 =	sshra.s32 s0, $0x2  }
0x11a: {  	v45 =	vld [tilespmem:s31+$0xC160];
	s0 =	sadd.s32 s0, s14;
	v17 =	vadd.f32 v24, v17  }
0x11b: {  	v60 =	vld [tilespmem:s0+$0x30]  }
0x11c: {  	v61 =	vld [tilespmem:s0+$0x40];
	(xrf2) =	vadd.scan.msk.f32 $0xffff, v17  }
0x11d: {  	v27 =	vld [tilespmem:s0+$0x10];
	(xrf2) =	vadd.scan.msk.f32 $0xffff, v25  }
0x11e: {  	v26 =	vld [tilespmem:s31+$0xC120]  }
0x11f: {  	s3 =	sadd.s32 $0x1, s12;
	v17 =	vld [tilespmem:s0+$0x0]  }
0x120: {  	s5 =	smulhi.u32 $0x51EB851F, s3;
	v25 =	vld [tilespmem:s0+$0x20]  }
0x121: {  	v24 =	vld [tilespmem:s31+$0xC130]  }
0x122: {  	s5 =	sshrl.u32 s5, $0x6;
	v63 =	vld [tilespmem:s0+$0x50]  }
0x123: {  	s5 =	smul.u32 $0xFFFE7000, s5;
	v46 =	vld [tilespmem:s0+$0x70]  }
0x124: {  	v34 =	vadd.f32 v61, v59;
	v28 =	vadd.f32 v17, v31;
	v17 =	vld [tilespmem:s31+$0xC170]  }
0x125: {  	s12 =	sshra.s32 s5, $0x2;
	s13 =	sadd.s32 $0x80, s14;
	v27 =	vadd.f32 v27, v58;
	v29 =	vadd.f32 v25, v26;
	v25 =	vld [tilespmem:s0+$0x60]  }
0x126: {  	s2 =	sadd.s32 s12, s13;
	v50 =	vmul.f32 v34, v34;
	v31 =	vadd.f32 v60, v24;
	v24 =	vmul.f32 v28, v28;
	v26, _, _ =	vpop (xrf2)  }
0x127: {  	v40 =	vld [tilespmem:s2+$0x70];
	v47 =	vmul.f32 v27, v27;
	v26 =	vperm.xlane v26, v0;
	v49, _, _ =	vpop (xrf2)  }
0x128: {  	v35 =	vadd.f32 v63, v62;
	v59 =	vld [tilespmem:s2+$0x10];
	v48 =	vmul.f32 v29, v29;
	[tilespmem:s31+$0x18100] =	vst v24;
	v24 =	vperm.xlane v49, v0  }
0x129: {  	[tilespmem:s31+$0x18100] =	vst.add.f32.msk $0xffff, v47;
	v43 =	vmul.f32 $7.812500000e-03, v26;
	v26 =	vmul.f32 v31, v31  }
0x12a: {  	v38 =	vmul.f32 v35, v35;
	v17 =	vadd.f32 v46, v17;
	[tilespmem:s31+$0x18100] =	vst.add.f32.msk $0xffff, v48;
	v36 =	vadd.f32 v25, v45  }
0x12b: {  	v51 =	vadd.f32 v31, v29;
	v24 =	vmul.f32 $7.812500000e-03, v24;
	v25 =	vmul.f32 v43, v43;
	[tilespmem:s31+$0x18100] =	vst.add.f32.msk $0xffff, v26  }
0x12c: {  	v39 =	vmul.f32 v36, v36;
	v52 =	vadd.f32 v17, v36;
	v26 =	vadd.f32 v27, v28;
	[tilespmem:s31+$0x18100] =	vst.add.f32.msk $0xffff, v50  }
0x12d: {  	v53 =	vmul.f32 v17, v17;
	v24 =	vsub.f32 v24, v25;
	v25 =	vadd.f32 v35, v34;
	[tilespmem:s31+$0x18100] =	vst.add.f32.msk $0xffff, v38  }
0x12e: {  	v26 =	vadd.f32 v51, v26;
	[tilespmem:s31+$0x18100] =	vst.add.f32.msk $0xffff, v39  }
0x12f: {  	v24 =	vadd.f32 $9.999999740e-06, v24;
	v25 =	vadd.f32 v52, v25;
	[tilespmem:s31+$0x18100] =	vst.add.f32.msk $0xffff, v53  }
0x130: {  	v54 =	vld [tilespmem:s31+$0x18100]  }
0x131: {  	v61 =	vld [tilespmem:s2+$0x30];
	v55 =	vshrl.u32 v24, $0x1;
	v24 =	vmul.f32 $5.000000000e-01, v24;
	v25 =	vadd.f32 v25, v26  }
0x132: {  	v62 =	vld [tilespmem:s2+$0x40];
	v26 =	vsub.s32 $0x5F3759DF, v55  }
0x133: {  	v60 =	vld [tilespmem:s2+$0x20];
	s0 =	simm.s32 $0x100;
	v57 =	vmul.f32 v26, v24;
	(xrf2) =	vadd.scan.msk.f32 $0xffff, v25  }
0x134: {  	v41 =	vld [tilespmem:s0+$0xC100]  }
0x135: {  	v42 =	vld [tilespmem:s0+$0xC110];
	v39 =	vmul.f32 v26, v57;
	(xrf2) =	vadd.scan.msk.f32 $0xffff, v54  }
0x136: {  	v37 =	vld [tilespmem:s0+$0xC120]  }
0x137: {  	v58 =	vld [tilespmem:s0+$0xC140];
	v39 =	vsub.f32 $1.500000000e+00, v39  }
0x138: {  	v30 =	vsub.f32 v30, v43;
	v25 =	vld [tilespmem:s2+$0x0]  }
0x139: {  	v63 =	vld [tilespmem:s2+$0x50];
	v46 =	vsub.f32 v18, v43;
	v48 =	vsub.f32 v19, v43;
	v39 =	vmul.f32 v26, v39  }
0x13a: {  	v56 =	vld [tilespmem:s0+$0xC130];
	v49 =	vsub.f32 v20, v43;
	v19 =	vadd.f32 v59, v42  }
0x13b: {  	v20 =	vadd.f32 v60, v37;
	v50 =	vsub.f32 v21, v43;
	v26 =	vld [tilespmem:s0+$0xC150];
	v21 =	vmul.f32 v39, v24  }
0x13c: {  	v51 =	vsub.f32 v23, v43;
	v38 =	vld [tilespmem:s2+$0x60];
	v23 =	vadd.f32 v62, v58;
	v42 =	vmul.f32 v19, v19  }
0x13d: {  	v59 =	vmul.f32 v20, v20;
	v18 =	vadd.f32 v25, v41;
	v25 =	vld [tilespmem:s0+$0xC160];
	v24 =	vmul.f32 v21, v39;
	v57, _, _ =	vpop (xrf2)  }
0x13e: {  	v37 =	vld [tilespmem:s0+$0xC170];
	v53 =	vsub.f32 v33, v43;
	v52 =	vmul.f32 v23, v23;
	s2 =	simm.s32 $0x180;
	v58 =	vperm.xlane v57, v0  }
0x13f: {  	v32 =	vld [tilespmem:s2+$0xC100];
	v41 =	vmul.f32 v18, v18;
	v21 =	vadd.f32 v61, v56;
	v60 =	vsub.f32 $1.500000000e+00, v24;
	v62, _, _ =	vpop (xrf2)  }
0x140: {  	v33 =	vld [tilespmem:s2+$0xC110];
	v24 =	vadd.f32 v63, v26;
	v63 =	vperm.xlane v62, v0;
	v26 =	vmul.f32 $7.812500000e-03, v58  }
0x141: {  	v22 =	vsub.f32 v22, v43;
	v45 =	vld [tilespmem:s2+$0xC140];
	[tilespmem:s0+$0x18100] =	vst v41;
	v61 =	vmul.f32 v21, v21;
	v39 =	vmul.f32 v60, v39  }
0x142: {  	[tilespmem:s0+$0x18100] =	vst.add.f32.msk $0xffff, v42;
	v25 =	vadd.f32 v38, v25;
	v55 =	vmul.f32 $7.812500000e-03, v63;
	v56 =	vmul.f32 v26, v26  }
0x143: {  	s3 =	sadd.s32 $0x1, s3;
	[tilespmem:s0+$0x18100] =	vst.add.f32.msk $0xffff, v59;
	v58 =	vadd.f32 v19, v18;
	v43 =	vmul.f32 v39, v22;
	v22 =	vadd.f32 v40, v37  }
0x144: {  	s14 =	smulhi.u32 $0x51EB851F, s3;
	v57 =	vmul.f32 v24, v24;
	[tilespmem:s0+$0x18100] =	vst.add.f32.msk $0xffff, v61;
	v60 =	vadd.f32 v21, v20;
	v38 =	vsub.f32 v55, v56  }
0x145: {  	v59 =	vmul.f32 v25, v25;
	v61 =	vadd.f32 v24, v23;
	[tilespmem:s0+$0x18100] =	vst.add.f32.msk $0xffff, v52;
	v62 =	vadd.f32 v22, v25  }
0x146: {  	s12 =	sshrl.u32 s14, $0x6;
	v28 =	vsub.f32 v28, v26;
	[tilespmem:s0+$0x18100] =	vst.add.f32.msk $0xffff, v57;
	v63 =	vmul.f32 v22, v22;
	v56 =	vadd.f32 $9.999999740e-06, v38  }
0x147: {  	s12 =	smul.u32 $0xFFFE7000, s12;
	v47 =	vmul.f32 v39, v30;
	v30 =	vadd.f32 v60, v58;
	[tilespmem:s0+$0x18100] =	vst.add.f32.msk $0xffff, v59;
	v57 =	vadd.f32 v62, v61  }
0x148: {  	v44 =	vmul.f32 v39, v46;
	[tilespmem:s0+$0x18100] =	vst.add.f32.msk $0xffff, v63;
	v58 =	vshrl.u32 v56, $0x1;
	v37 =	vmul.f32 $5.000000000e-01, v56  }
0x149: {  	s5 =	sadd.s32 $0x80, s13;
	s12 =	sshra.s32 s12, $0x2;
	v60 =	vmul.f32 v39, v48;
	v54 =	vld [tilespmem:s0+$0x18100];
	v42 =	vsub.s32 $0x5F3759DF, v58;
	v41 =	vadd.f32 v57, v30  }
0x14a: {  	s14 =	sadd.s32 s12, s5;
	v27 =	vsub.f32 v27, v26;
	v40 =	vld [tilespmem:s2+$0xC130];
	v43 =	vmul.f32 v43, v8;
	v59 =	vmul.f32 v42, v37  }
0x14b: {  	v35 =	vsub.f32 v35, v26;
	v48 =	vld [tilespmem:s14+$0x0];
	v47 =	vmul.f32 v47, v1;
	v46 =	vmul.f32 v60, v3;
	(xrf2) =	vadd.scan.msk.f32 $0xffff, v41  }
0x14c: {  	v38 =	vld [tilespmem:s2+$0xC120];
	v52 =	vadd.f32 v43, v16;
	v62 =	vmul.f32 v39, v49;
	v61 =	vmul.f32 v42, v59  }
0x14d: {  	v49 =	vld [tilespmem:s14+$0x10];
	v63 =	vmul.f32 v39, v50;
	v30 =	vsub.f32 v29, v26;
	v29 =	vsub.f32 v31, v26  }
0x14e: {  	v50 =	vld [tilespmem:s14+$0x20];
	v43 =	vmul.f32 v39, v53;
	v31 =	vsub.f32 v34, v26;
	(xrf2) =	vadd.scan.msk.f32 $0xffff, v54;
	v34 =	vsub.f32 $1.500000000e+00, v61  }
0x14f: {  	v36 =	vsub.f32 v36, v26;
	v57 =	vmul.f32 v39, v51;
	v51 =	vld [tilespmem:s14+$0x30];
	v58 =	vmul.f32 v44, v2  }
0x150: {  	[tilespmem:s4+$0x14170] =	vst v52;
	v52 =	vld [tilespmem:s14+$0x40];
	v39 =	vadd.f32 v47, v9;
	v47 =	vmul.f32 v62, v4;
	v44 =	vmul.f32 v42, v34  }
0x151: {  	s30 =	sor.u32 $0x1, s30;
	s12 =	simm.s32 $0x800;
	v53 =	vld [tilespmem:s2+$0xC150];
	v41 =	vmul.f32 v63, v5;
	v42 =	vadd.f32 v58, v10;
	v34 =	vmul.f32 v57, v6  }
.LBB2_5:
0x152: {  	p0 =	sne.s32 s12, $0xFE00;
	v54 =	vld [tilespmem:s14+$0x50];
	v37 =	vmul.f32 v44, v37;
	v46 =	vadd.f32 v46, v11;
	v43 =	vmul.f32 v43, v7;
	[tilespmem:s4+$0x14100] =	vst v39  }
0x153: {  	v39 =	vadd.f32 v48, v32;
	v32 =	vadd.f32 v47, v12;
	v47 =	vmovc v36;
	v48 =	vld [tilespmem:s2+$0xC160];
	[tilespmem:s4+$0x14110] =	vst v42;
	v42 =	vmov v35  }
0x154: {  	v35 =	vadd.f32 v49, v33;
	v36 =	vadd.f32 v50, v38;
	v38 =	vld [tilespmem:s2+$0xC170];
	v33 =	vmul.f32 v37, v44;
	[tilespmem:s4+$0x14120] =	vst v46  }
0x155: {  	v46 =	vadd.f32 v51, v40;
	v40 =	vmul.f32 v39, v39;
	v49 =	vadd.f32 v52, v45;
	v37 =	vld [tilespmem:s14+$0x60];
	v45, _, _ =	vpop (xrf2);
	[tilespmem:s4+$0x14130] =	vst v32  }
0x156: {  	v51 =	vmul.f32 v35, v35;
	v52 =	vmul.f32 v36, v36;
	v50 =	vld [tilespmem:s14+$0x70];
	v33 =	vsub.f32 $1.500000000e+00, v33  }
0x157: {  	s13 =	sshra.s32 s12, $0x2;
	v45 =	vperm.xlane v45, v0;
	v53 =	vadd.f32 v54, v53;
	v54 =	vmul.f32 v46, v46  }
0x158: {  	v57 =	vsub.f32 v17, v26;
	v55 =	vmul.f32 v49, v49;
	v32 =	vld [tilespmem:s13+$0xC100];
	v56, _, _ =	vpop (xrf2);
	v44 =	vmul.f32 v33, v44  }
0x159: {  	v17 =	vmovc v22;
	v41 =	vadd.f32 v41, v13;
	v26 =	vmul.f32 $7.812500000e-03, v45;
	v33 =	vld [tilespmem:s13+$0xC110];
	[tilespmem:s2+$0x18100] =	vst v40;
	v40 =	vperm.xlane v56, v0  }
0x15a: {  	v56 =	vadd.f32 v37, v48;
	v37 =	vmul.f32 v53, v53;
	[tilespmem:s2+$0x18100] =	vst.add.f32.msk $0xffff, v51;
	v45 =	vmul.f32 v44, v57  }
0x15b: {  	v22 =	vadd.f32 v50, v38;
	[tilespmem:s2+$0x18100] =	vst.add.f32.msk $0xffff, v52;
	v38 =	vmul.f32 $7.812500000e-03, v40;
	v40 =	vmul.f32 v26, v26  }
0x15c: {  	v48 =	vadd.f32 v35, v39;
	v50 =	vadd.f32 v46, v36;
	[tilespmem:s2+$0x18100] =	vst.add.f32.msk $0xffff, v54;
	v45 =	vmul.f32 v45, v8  }
0x15d: {  	s3 =	sadd.s32 $0x1, s3;
	v52 =	vadd.f32 v53, v49;
	v51 =	vmul.f32 v56, v56;
	[tilespmem:s2+$0x18100] =	vst.add.f32.msk $0xffff, v55;
	v38 =	vsub.f32 v38, v40  }
0x15e: {  	s14 =	smulhi.u32 $0x51EB851F, s3;
	v54 =	vmul.f32 v44, v28;
	[tilespmem:s2+$0x18100] =	vst.add.f32.msk $0xffff, v37;
	v37 =	vadd.f32 v22, v56;
	v40 =	vadd.f32 v45, v16  }
0x15f: {  	v28 =	vsub.f32 v18, v26;
	v18 =	vmovc v39;
	v45 =	vmul.f32 v22, v22;
	[tilespmem:s2+$0x18100] =	vst.add.f32.msk $0xffff, v51;
	v51 =	vadd.f32 $9.999999740e-06, v38  }
0x160: {  	s14 =	sshrl.u32 s14, $0x6;
	v39 =	vadd.f32 v50, v48;
	v38 =	vld [tilespmem:s13+$0xC120];
	v48 =	vadd.f32 v37, v52;
	v52 =	vmul.f32 v44, v27;
	[tilespmem:s31+$0x14170] =	vst v40  }
0x161: {  	s14 =	smul.u32 $0xFFFE7000, s14;
	v27 =	vsub.f32 v19, v26;
	v19 =	vmovc v35;
	[tilespmem:s2+$0x18100] =	vst.add.f32.msk $0xffff, v45;
	v40 =	vshrl.u32 v51, $0x1;
	v37 =	vmul.f32 $5.000000000e-01, v51  }
0x162: {  	v57 =	vsub.f32 v20, v26;
	v20 =	vmovc v36;
	v35 =	vadd.f32 v48, v39;
	v39 =	vld [tilespmem:s2+$0x18100];
	v55 =	vsub.s32 $0x5F3759DF, v40;
	[tilespmem:s4+$0x14140] =	vst v41  }
0x163: {  	s5 =	sadd.s32 $0x80, s5;
	v58 =	vsub.f32 v21, v26;
	v59 =	vsub.f32 v23, v26;
	v21 =	vmovc v46;
	s14 =	sshra.s32 s14, $0x2;
	v40 =	vld [tilespmem:s13+$0xC130];
	v41 =	vmul.f32 v55, v37  }
0x164: {  	v30 =	vmul.f32 v44, v30;
	v36 =	vsub.f32 v25, v26;
	s14 =	sadd.s32 s14, s5;
	v45 =	vld [tilespmem:s13+$0xC140];
	(xrf2) =	vadd.scan.msk.f32 $0xffff, v35;
	v35 =	vsub.f32 v24, v26  }
0x165: {  	v60 =	vadd.f32 v34, v14;
	v23 =	vmovc v49;
	v48 =	vld [tilespmem:s14+$0x0];
	v46 =	vmul.f32 v55, v41;
	v41 =	vmul.f32 v44, v29  }
.Ltmp3:
0x166: {  	v31 =	vmul.f32 v44, v31;
	v34 =	vmul.f32 v44, v42;
	v42 =	vadd.f32 v43, v15;
	v24 =	vmovc v53;
	v49 =	vld [tilespmem:s14+$0x10];
	(pc) =	sbr.rel @p0 .LBB2_5-.Ltmp3, $4  }
0x167: {  	v43 =	vmul.f32 v44, v47;
	v25 =	vmovc v56;
	v53 =	vmul.f32 v54, v1;
	v50 =	vld [tilespmem:s14+$0x20];
	(xrf2) =	vadd.scan.msk.f32 $0xffff, v39;
	v39 =	vsub.f32 $1.500000000e+00, v46  }
0x168: {  	v54 =	vmul.f32 v52, v2;
	v29 =	vmovc v58;
	v46 =	vmul.f32 v30, v3;
	v30 =	vmov v57;
	v51 =	vld [tilespmem:s14+$0x30];
	[tilespmem:s4+$0x14150] =	vst v60  }
0x169: {  	v47 =	vmul.f32 v41, v4;
	v52 =	vld [tilespmem:s14+$0x40];
	v44 =	vmul.f32 v55, v39;
	v39 =	vadd.f32 v53, v9;
	[tilespmem:s4+$0x14160] =	vst v42;
	s4 =	smov.u32 s31;
	s31 =	smov.u32 s0;
	s0 =	smov.u32 s2  }
0x16a: {  	s12 =	sadd.s32 $0x200, s12;
	v34 =	vmul.f32 v34, v6;
	v41 =	vmul.f32 v31, v5;
	v31 =	vmovc v59;
	v42 =	vadd.f32 v54, v10;
	s2 =	smov.u32 s13;
	v53 =	vld [tilespmem:s13+$0xC150]  }
0x16b: {  	v54 =	vld [tilespmem:s14+$0x50]  }
0x16c: {  	v55 =	vld [tilespmem:s2+$0xC160]  }
0x16d: {  	v32 =	vadd.f32 v48, v32;
	v48 =	vld [tilespmem:s2+$0xC170]  }
0x16e: {  	v33 =	vadd.f32 v49, v33;
	v62 =	vld [tilespmem:s14+$0x60]  }
0x16f: {  	v56 =	vld [tilespmem:s14+$0x70];
	v38 =	vadd.f32 v50, v38;
	v63 =	vmul.f32 v32, v32  }
0x170: {  	v40 =	vadd.f32 v51, v40;
	v57 =	vmul.f32 v33, v33  }
0x171: {  	v45 =	vadd.f32 v52, v45;
	v58 =	vmul.f32 v38, v38;
	[tilespmem:s2+$0x18100] =	vst v63  }
0x172: {  	v59 =	vmul.f32 v40, v40;
	v50 =	vadd.f32 v54, v53;
	[tilespmem:s2+$0x18100] =	vst.add.f32.msk $0xffff, v57  }
0x173: {  	v60 =	vmul.f32 v45, v45;
	v49 =	vadd.f32 v62, v55;
	[tilespmem:s2+$0x18100] =	vst.add.f32.msk $0xffff, v58  }
0x174: {  	v48 =	vadd.f32 v56, v48;
	v61 =	vmul.f32 v50, v50;
	[tilespmem:s2+$0x18100] =	vst.add.f32.msk $0xffff, v59  }
0x175: {  	v63 =	vadd.f32 v40, v38;
	v62 =	vadd.f32 v33, v32;
	v55 =	vmul.f32 v49, v49;
	[tilespmem:s2+$0x18100] =	vst.add.f32.msk $0xffff, v60  }
0x176: {  	v56 =	vmul.f32 v48, v48;
	v60 =	vadd.f32 v50, v45;
	[tilespmem:s2+$0x18100] =	vst.add.f32.msk $0xffff, v61;
	v61 =	vadd.f32 v48, v49  }
0x177: {  	[tilespmem:s2+$0x18100] =	vst.add.f32.msk $0xffff, v55  }
0x178: {  	v53 =	vadd.f32 v63, v62;
	v51 =	vadd.f32 v61, v60;
	[tilespmem:s2+$0x18100] =	vst.add.f32.msk $0xffff, v56  }
0x179: {  	v62 =	vld [tilespmem:s2+$0x18100]  }
0x17a: {  	v51 =	vadd.f32 v51, v53;
	_ =	sdelay $0x1  }
0x17b: {  	v63, _, _ =	vpop (xrf2);
	(xrf2) =	vadd.scan.msk.f32 $0xffff, v51  }
0x17c: {  	v53 =	vperm.xlane v63, v0  }
0x17d: {  	v37 =	vmul.f32 v44, v37;
	v56, _, _ =	vpop (xrf2);
	(xrf2) =	vadd.scan.msk.f32 $0xffff, v62  }
0x17e: {  	v51 =	vperm.xlane v56, v0;
	v53 =	vmul.f32 $7.812500000e-03, v53  }
0x17f: {  	v37 =	vmul.f32 v37, v44  }
0x180: {  	v51 =	vmul.f32 $7.812500000e-03, v51;
	v57 =	vmul.f32 v53, v53  }
0x181: {  	v37 =	vsub.f32 $1.500000000e+00, v37  }
0x182: {  	v51 =	vsub.f32 v51, v57  }
0x183: {  	v17 =	vsub.f32 v17, v26;
	v37 =	vmul.f32 v37, v44  }
0x184: {  	v51 =	vadd.f32 $9.999999740e-06, v51  }
0x185: {  	v17 =	vmul.f32 v37, v17;
	v28 =	vmul.f32 v37, v28;
	v60, _, _ =	vpop (xrf2)  }
0x186: {  	v58 =	vshrl.u32 v51, $0x1;
	v59 =	vmul.f32 $5.000000000e-01, v51;
	v51 =	vperm.xlane v60, v0  }
0x187: {  	v27 =	vmul.f32 v37, v27;
	v30 =	vmul.f32 v37, v30;
	v62, _, _ =	vpop (xrf2)  }
0x188: {  	v26 =	vsub.s32 $0x5F3759DF, v58;
	v54 =	vperm.xlane v62, v0;
	v51 =	vmul.f32 $7.812500000e-03, v51  }
0x189: {  	v29 =	vmul.f32 v37, v29;
	v61 =	vmul.f32 v26, v59  }
0x18a: {  	v46 =	vadd.f32 v46, v11;
	v54 =	vmul.f32 $7.812500000e-03, v54;
	v63 =	vmul.f32 v51, v51  }
0x18b: {  	v47 =	vadd.f32 v47, v12;
	v31 =	vmul.f32 v37, v31;
	v35 =	vmul.f32 v37, v35  }
0x18c: {  	v17 =	vmul.f32 v17, v8;
	v52 =	vmul.f32 v26, v61;
	v54 =	vsub.f32 v54, v63  }
0x18d: {  	v41 =	vadd.f32 v41, v13;
	v28 =	vmul.f32 v28, v1;
	v27 =	vmul.f32 v27, v2  }
0x18e: {  	v30 =	vmul.f32 v30, v3;
	v52 =	vsub.f32 $1.500000000e+00, v52;
	v57 =	vadd.f32 $9.999999740e-06, v54  }
0x18f: {  	v34 =	vadd.f32 v34, v14;
	v29 =	vmul.f32 v29, v4;
	v35 =	vmul.f32 v35, v6  }
0x190: {  	v26 =	vmul.f32 v26, v52;
	v54 =	vshrl.u32 v57, $0x1;
	v52 =	vmul.f32 $5.000000000e-01, v57  }
0x191: {  	v17 =	vadd.f32 v17, v16;
	v28 =	vadd.f32 v28, v9;
	v54 =	vsub.s32 $0x5F3759DF, v54  }
0x192: {  	v30 =	vadd.f32 v30, v11;
	v29 =	vadd.f32 v29, v12;
	v58 =	vmul.f32 v54, v52  }
0x193: {  	v36 =	vmul.f32 v37, v36;
	v35 =	vadd.f32 v35, v14;
	[tilespmem:s31+$0x14170] =	vst v17;
	v17 =	vadd.f32 v27, v10  }
0x194: {  	v18 =	vsub.f32 v18, v53;
	v19 =	vsub.f32 v19, v53;
	v60 =	vmul.f32 v54, v58  }
0x195: {  	[tilespmem:s4+$0x14100] =	vst v39;
	v20 =	vsub.f32 v20, v53;
	v21 =	vsub.f32 v21, v53;
	v44 =	vmul.f32 v26, v59  }
0x196: {  	[tilespmem:s4+$0x14110] =	vst v42;
	v36 =	vmul.f32 v36, v7;
	v23 =	vsub.f32 v23, v53;
	v61 =	vsub.f32 $1.500000000e+00, v60  }
0x197: {  	[tilespmem:s4+$0x14120] =	vst v46;
	v24 =	vsub.f32 v24, v53;
	v25 =	vsub.f32 v25, v53;
	v44 =	vmul.f32 v44, v26  }
0x198: {  	[tilespmem:s4+$0x14130] =	vst v47;
	v22 =	vsub.f32 v22, v53;
	v62 =	vmul.f32 v31, v5;
	v63 =	vmul.f32 v54, v61  }
0x199: {  	v43 =	vmul.f32 v43, v7;
	[tilespmem:s4+$0x14140] =	vst v41;
	v53 =	vadd.f32 v36, v15;
	v44 =	vsub.f32 $1.500000000e+00, v44  }
0x19a: {  	[tilespmem:s4+$0x14150] =	vst v34;
	v27 =	vadd.f32 v62, v13;
	v32 =	vsub.f32 v32, v51;
	v42 =	vmul.f32 v63, v52  }
0x19b: {  	[tilespmem:s31+$0x14100] =	vst v28;
	v46 =	vsub.f32 v45, v51;
	v47 =	vsub.f32 v50, v51;
	v26 =	vmul.f32 v44, v26  }
0x19c: {  	[tilespmem:s31+$0x14120] =	vst v30;
	v49 =	vsub.f32 v49, v51;
	v59 =	vadd.f32 v43, v15;
	v34 =	vmul.f32 v42, v63  }
0x19d: {  	[tilespmem:s31+$0x14130] =	vst v29;
	v43 =	vsub.f32 v33, v51;
	v44 =	vsub.f32 v38, v51;
	v22 =	vmul.f32 v26, v22  }
0x19e: {  	[tilespmem:s31+$0x14110] =	vst v17;
	v17 =	vmul.f32 v26, v18;
	v19 =	vmul.f32 v26, v19;
	v34 =	vsub.f32 $1.500000000e+00, v34  }
0x19f: {  	[tilespmem:s31+$0x14150] =	vst v35;
	v18 =	vsub.f32 v40, v51;
	v20 =	vmul.f32 v26, v20;
	v22 =	vmul.f32 v22, v8  }
0x1a0: {  	[tilespmem:s31+$0x14160] =	vst v53;
	v17 =	vmul.f32 v17, v1;
	v52 =	vsub.f32 v48, v51;
	v50 =	vmul.f32 v34, v63  }
0x1a1: {  	[tilespmem:s31+$0x14140] =	vst v27;
	v21 =	vmul.f32 v26, v21;
	v19 =	vmul.f32 v19, v2;
	v22 =	vadd.f32 v22, v16  }
0x1a2: {  	[tilespmem:s4+$0x14160] =	vst v59;
	v20 =	vmul.f32 v20, v3;
	v17 =	vadd.f32 v17, v9;
	v31 =	vmul.f32 v50, v52  }
0x1a3: {  	v23 =	vmul.f32 v26, v23;
	v21 =	vmul.f32 v21, v4;
	v19 =	vadd.f32 v19, v10;
	[tilespmem:s0+$0x14170] =	vst v22  }
0x1a4: {  	v24 =	vmul.f32 v26, v24;
	v20 =	vadd.f32 v20, v11;
	[tilespmem:s0+$0x14100] =	vst v17;
	v17 =	vmul.f32 v31, v8  }
0x1a5: {  	v25 =	vmul.f32 v26, v25;
	v23 =	vmul.f32 v23, v5;
	v21 =	vadd.f32 v21, v12;
	[tilespmem:s0+$0x14110] =	vst v19  }
0x1a6: {  	v19 =	vmul.f32 v24, v6;
	[tilespmem:s0+$0x14120] =	vst v20;
	v54 =	vmul.f32 v50, v32;
	v17 =	vadd.f32 v17, v16  }
0x1a7: {  	v55 =	vmul.f32 v25, v7;
	v56 =	vadd.f32 v23, v13;
	[tilespmem:s0+$0x14130] =	vst v21;
	v57 =	vmul.f32 v50, v43  }
0x1a8: {  	v19 =	vadd.f32 v19, v14;
	v20 =	vmul.f32 v54, v1;
	[tilespmem:s2+$0x14170] =	vst v17;
	v17 =	vmul.f32 v50, v44  }
0x1a9: {  	v58 =	vadd.f32 v55, v15;
	[tilespmem:s0+$0x14140] =	vst v56;
	v18 =	vmul.f32 v50, v18;
	v23 =	vmul.f32 v57, v2  }
0x1aa: {  	[tilespmem:s0+$0x14150] =	vst v19;
	v59 =	vmul.f32 v50, v46;
	v19 =	vadd.f32 v20, v9;
	v17 =	vmul.f32 v17, v3  }
0x1ab: {  	[tilespmem:s0+$0x14160] =	vst v58;
	v60 =	vmul.f32 v50, v47;
	v18 =	vmul.f32 v18, v4;
	v61 =	vadd.f32 v23, v10  }
0x1ac: {  	v22 =	vmul.f32 v50, v49;
	v62 =	vmul.f32 v59, v5;
	[tilespmem:s2+$0x14100] =	vst v19;
	v17 =	vadd.f32 v17, v11  }
0x1ad: {  	v18 =	vadd.f32 v18, v12;
	v19 =	vmul.f32 v60, v6;
	[tilespmem:s2+$0x14110] =	vst v61  }
0x1ae: {  	v63 =	vmul.f32 v22, v7;
	[tilespmem:s2+$0x14120] =	vst v17;
	v17 =	vadd.f32 v62, v13  }
.Ltmp4:
0x1af: {  	s31 =	sshll.u32 s30, $0xE;
	[tilespmem:s2+$0x14130] =	vst v18;
	v18 =	vadd.f32 v19, v14;
	(pc) =	sbr.rel @p1 .LBB2_8-.Ltmp4, $4  }
0x1b0: {  	s0 =	sadd.s32 s9, s31;
	[tilespmem:s2+$0x14140] =	vst v17;
	v17 =	vadd.f32 v63, v15  }
0x1b1: {  	s0 =	sshrl.u32 s0, $0x3;
	[tilespmem:s2+$0x14150] =	vst v18  }
0x1b2: {  	s0 =	sadd.s32 s6, s0;
	[tilespmem:s2+$0x14160] =	vst v17  }
0x1b3: {  	[hbm4b:s0+s7] =	stream.linear.scatter [tilespmem:s19], [sflag:$0x4], $0x4000, $0x38;
	[tilespmem:$0x1C100] =	vst v63  }
.Ltmp5:
0x1b4: {  	(pc) =	sbr.rel .LBB2_2-.Ltmp5, $4  }
0x1b5: {  	s0 =	sshll.u32 s29, $0x8;
	s29 =	sadd.s32 $0x1, s29  }
0x1b6: {  	s24 =	sadd.s32 $0x8000, s24;
	s28 =	sadd.s32 $0x100, s28;
	s0 =	sand.u32 $0x3FFFFF00, s0  }
0x1b7: {  	s25 =	sadd.s32 $0x8000, s25;
	s26 =	sadd.s32 $0x100, s26;
	s0 =	sadd.s32 $0x180, s0  }
0x1b8: {  	[tilespmem:s15], [sflag:$0x2] =	stream.indirect.gather [hbm4b:s1+s22], $0x80, s0, s22, $0xb8;
	[tilespmem:$0x1C100] =	vst v63  }
.LBB2_9:
0x1b9: {  	_ =	sfence.sel $0x180000  }
0x1ba: {  	[bflag:$0x0] =	sbarrier.arrive $0xFFFF  }
0x1bb: {  	_ =	strace $0x90000047  }
0x1bc: {  	s0 =	stileid.u32;
	[bflag:$0x2] =	sbarrier.arrive $0xFFFF  }
0x1bd: {  	p0 =	sne.s32 s0, $0x0;
	s0 =	rddreg [dreg:$0x6]  }
0x1be: {  	s0 =	sadd.s32 @!p0 $0x100000, s0  }
0x1bf: {  	[sflag:s0] =	ssyncadd.tile.s32 @!p0 $0x1;
	_ =	shalt  }
.Lfunc_end2:
_tile_overlayer_lowered:
.L_overlay_start_2:
0x1c0: {  	(tag) =	ssettag $0x2  }
0x1c1: {  	s0 =	rddreg [dreg:$0x0];
	s2 =	stileid.u32  }
0x1c2: {  	s1 =	rddreg [dreg:$0x1];
	p0 =	sne.s32 s2, $0x0  }
0x1c3: {  	s3 =	rddreg [dreg:$0x2];
	[bflag:$0x3] =	sbarrier.arrive $0xFFFF;
	s2 =	simm.s32 @!p0 $0x1C05  }
0x1c4: {  	[timem:s3], [sflag:s2] =	dma.local @!p0 [hbm:s0], s1  }
0x1c5: {  	s0 =	simm.s32 @!p0 $0x5  }
0x1c6: {  	_ =	swait.ge @!p0 [sflag:s0], s1  }
0x1c7: {  	s1 =	ssub.s32 @!p0 $0x0, s1;
	[sflag:s0] =	ssyncset.done @!p0 $0x0  }
0x1c8: {  	[sflag:s0] =	ssyncadd.s32 @!p0 s1  }
0x1c9: {  	[bflag:$0x3] =	sbarrier.arrive $0xFFFF  }
0x1ca: {  	_ =	shalt  }

</sc_bundles>
